<compile_context>
chip_gen: v7x
topology: tpu7x:2x2x1
jax: 0.10.2.dev20260603
libtpu: 0.0.44.dev20260713+nightly
codegen_flags: <defaults>
</compile_context>

<pallas_src>
import functools

import jax
import jax.numpy as jnp
from jax import lax
from jax.experimental import pallas as pl
from jax.experimental.pallas import tpu as pltpu
from jax.experimental.pallas import tpu_sc as plsc

_S, _DIM, _E, _FF = 2048, 1024, 8, 2048
_BLK = 128
_NB = _S // _BLK + _E
_EP = 128
_NC, _NS = 2, 16
_NW = _NC * _NS
_RPW = _S // _NW


def _router_body(x_ref, w_ref, b_ref, pos_ref, boff_ref):
    logits = jnp.dot(x_ref[...].astype(jnp.bfloat16),
                     w_ref[...].astype(jnp.bfloat16),
                     preferred_element_type=jnp.float32) + b_ref[...]
    lane = lax.broadcasted_iota(jnp.int32, (_S, _EP), 1)
    logits = jnp.where(lane < _E, logits, -1e30)
    mx = jnp.max(logits, axis=1, keepdims=True)
    eid = jnp.min(jnp.where(logits == mx, lane, _EP), axis=1, keepdims=True)
    onehot = jnp.where(lane == eid, 1.0, 0.0)

    tri = jnp.where(
        lax.broadcasted_iota(jnp.int32, (_BLK, _BLK), 0)
        >= lax.broadcasted_iota(jnp.int32, (_BLK, _BLK), 1), 1.0, 0.0)

    carry = jnp.zeros((1, _EP), jnp.float32)
    chunks = []
    for g in range(_S // _BLK):
        blk = lax.slice(onehot, (g * _BLK, 0), ((g + 1) * _BLK, _EP))
        c = jnp.dot(tri, blk, preferred_element_type=jnp.float32) + carry
        chunks.append(c)
        carry = lax.slice(c, (_BLK - 1, 0), (_BLK, _EP))
    csum = jnp.concatenate(chunks, axis=0)

    rank = jnp.sum(onehot * csum, axis=1, keepdims=True).astype(jnp.int32) - 1
    counts = lax.slice(csum, (_S - 1, 0), (_S, _EP)).astype(jnp.int32)
    lane_r = lax.broadcasted_iota(jnp.int32, (1, _EP), 1)
    padded = jnp.where(lane_r < _E, ((counts + _BLK - 1) // _BLK) * _BLK, 0)
    triu = jnp.where(
        lax.broadcasted_iota(jnp.int32, (_EP, _EP), 0)
        <= lax.broadcasted_iota(jnp.int32, (_EP, _EP), 1), 1.0, 0.0)
    cum_end = jnp.dot(padded.astype(jnp.float32), triu,
                      preferred_element_type=jnp.float32).astype(jnp.int32)
    off = (cum_end - padded).astype(jnp.float32)
    pos_ref[...] = (jnp.sum(onehot * off, axis=1, keepdims=True).astype(jnp.int32)
                    + rank)

    rowi9 = lax.broadcasted_iota(jnp.int32, (_E + 1, _EP), 0)
    lane9 = lax.broadcasted_iota(jnp.int32, (_E + 1, _EP), 1)
    boff = jnp.sum(jnp.where(lane9 < rowi9,
                             jnp.broadcast_to(padded, (_E + 1, _EP)), 0),
                   axis=1, keepdims=True) // _BLK
    boff_ref[...] = boff.astype(jnp.int32)


def _make_router(interpret=False):
    return pl.pallas_call(
        _router_body,
        out_shape=(
            jax.ShapeDtypeStruct((_S, 1), jnp.int32),
            jax.ShapeDtypeStruct((_E + 1, 1), jnp.int32),
        ),
        out_specs=(
            pl.BlockSpec(memory_space=pltpu.VMEM),
            pl.BlockSpec(memory_space=pltpu.VMEM),
        ),
        interpret=interpret,
    )


def _ffn_body(boff_ref, xs_ref, w1_ref, b1_ref, w2_ref, b2_ref, o_ref):
    e = pl.program_id(0)
    t = pl.program_id(1)
    start = boff_ref[e]
    nblk = boff_ref[e + 1] - start

    def body(j, carry):
        base = pl.multiple_of((start + j) * _BLK, _BLK)
        xb = xs_ref[pl.ds(base, _BLK), :]
        h = jnp.dot(xb, w1_ref[0], preferred_element_type=jnp.float32)
        h = h + b1_ref[0]
        h = 0.5 * h * (1.0 + lax.erf(h * 0.7071067811865476))
        part = jnp.dot(h, w2_ref[0], preferred_element_type=jnp.float32)

        @pl.when(t == 0)
        def _():
            o_ref[pl.ds(base, _BLK), :] = part + b2_ref[0]

        @pl.when(t != 0)
        def _():
            o_ref[pl.ds(base, _BLK), :] = (
                o_ref[pl.ds(base, _BLK), :] + part)

        return carry

    lax.fori_loop(0, nblk, body, 0)


def _make_ffn(interpret=False):
    grid_spec = pltpu.PrefetchScalarGridSpec(
        num_scalar_prefetch=1,
        grid=(_E, 4),
        in_specs=[
            pl.BlockSpec((_NB * _BLK, _DIM), lambda e, t, boff: (0, 0)),
            pl.BlockSpec((1, _DIM, _FF // 4), lambda e, t, boff: (e, 0, t)),
            pl.BlockSpec((1, 1, _FF // 4), lambda e, t, boff: (e, 0, t)),
            pl.BlockSpec((1, _FF // 4, _DIM), lambda e, t, boff: (e, t, 0)),
            pl.BlockSpec((1, 1, _DIM), lambda e, t, boff: (e, 0, 0)),
        ],
        out_specs=pl.BlockSpec((_NB * _BLK, _DIM), lambda e, t, boff: (0, 0)),
    )
    return pl.pallas_call(
        _ffn_body,
        grid_spec=grid_spec,
        out_shape=jax.ShapeDtypeStruct((_NB * _BLK, _DIM), jnp.float32),
        interpret=interpret,
    )


@functools.cache
def _make_sc_kernels():
    mesh = plsc.VectorSubcoreMesh(core_axis_name="c", subcore_axis_name="s",
                                  num_cores=_NC)
    scratch = [
        pltpu.VMEM((_RPW,), jnp.int32),
        pltpu.VMEM((_RPW, _DIM), jnp.float32),
        pltpu.SemaphoreType.DMA,
    ]

    @functools.partial(
        pl.kernel, mesh=mesh,
        out_type=jax.ShapeDtypeStruct((_NB * _BLK, _DIM), jnp.float32),
        scratch_types=scratch,
    )
    def _sc_scatter_rows(x_hbm, pos_hbm, xs_hbm, idx_v, rows_v, sem):
        wid = lax.axis_index("s") * _NC + lax.axis_index("c")
        base = wid * _RPW
        pltpu.sync_copy(pos_hbm.at[pl.ds(base, _RPW)], idx_v)
        pltpu.sync_copy(x_hbm.at[pl.ds(base, _RPW)], rows_v)
        pltpu.async_copy(rows_v, xs_hbm.at[idx_v], sem).wait()

    @functools.partial(
        pl.kernel, mesh=mesh,
        out_type=jax.ShapeDtypeStruct((_S, _DIM), jnp.float32),
        scratch_types=scratch,
    )
    def _sc_gather_rows(os_hbm, pos_hbm, out_hbm, idx_v, rows_v, sem):
        wid = lax.axis_index("s") * _NC + lax.axis_index("c")
        base = wid * _RPW
        pltpu.sync_copy(pos_hbm.at[pl.ds(base, _RPW)], idx_v)
        pltpu.async_copy(os_hbm.at[idx_v], rows_v, sem).wait()
        pltpu.sync_copy(rows_v, out_hbm.at[pl.ds(base, _RPW)])

    return _sc_scatter_rows, _sc_gather_rows


def kernel(x, route_W, route_b, W1, b1, W2, b2):
    x2 = x.reshape(_S, _DIM)
    wr = jnp.pad(route_W, ((0, 0), (0, _EP - _E)))
    rb = jnp.pad(route_b, (0, _EP - _E))[None, :]
    pos2, boff2 = _make_router()(x2, wr, rb)
    pos = pos2.reshape(_S)
    boff = boff2.reshape(_E + 1)
    sc_scatter, sc_gather = _make_sc_kernels()
    xs = sc_scatter(x2, pos)
    os_ = _make_ffn()(boff, xs,
                      W1, b1.reshape(_E, 1, _FF),
                      W2, b2.reshape(_E, 1, _DIM))
    out = sc_gather(os_, pos)
    return out.reshape(x.shape)

# --- scband reference (transcript-rebuilt; emitter-appended) ---
"""Pipeline reference for scband-switch-feed-forward-24378234372444 (READ-ONLY COPY).

The authoritative reference and input builder live on the scoring server;
editing this copy changes nothing except your own understanding.
"""

import jax, jax.numpy as jnp
import numpy as np

B, S, DIM = 1, 2048, 1024
E, FF = 8, 2048

def setup_inputs(seed: int = 0) -> dict:
    key = jax.random.key(seed)
    ks = jax.random.split(key, 8)
    x = jax.random.normal(ks[0], (B, S, DIM), dtype=jnp.float32)
    route_W = jax.random.normal(ks[1], (DIM, E), dtype=jnp.float32) * 0.02
    route_b = jnp.zeros((E,), dtype=jnp.float32)
    W1 = jax.random.normal(ks[2], (E, DIM, FF), dtype=jnp.float32) * 0.02
    b1 = jnp.zeros((E, FF), dtype=jnp.float32)
    W2 = jax.random.normal(ks[3], (E, FF, DIM), dtype=jnp.float32) * 0.02
    b2 = jnp.zeros((E, DIM), dtype=jnp.float32)
    return {"x": x, "route_W": route_W, "route_b": route_b, "W1": W1, "b1": b1, "W2": W2, "b2": b2}

def reference(x, route_W, route_b, W1, b1, W2, b2):
    # router: linear -> softmax -> argmax (top-1 switch routing)
    route_logits = jnp.einsum('bsd,de->bse', x, route_W) + route_b
    routing_weights = jax.nn.softmax(route_logits, axis=-1)
    selected_expert = jnp.argmax(routing_weights, axis=-1)  # [B, S]
    # note: capacity is computed in the torch module but never used to drop tokens,
    # and routing weights do not scale the output (faithful to the reference forward)
    final_output = jnp.zeros_like(x)
    for e in range(E):
        h = jnp.einsum('bsd,df->bsf', x, W1[e]) + b1[e]
        h = jax.nn.gelu(h, approximate=False)
        h = jnp.einsum('bsf,fd->bsd', h, W2[e]) + b2[e]
        mask = (selected_expert == e)[..., None]
        final_output = jnp.where(mask, h, final_output)
    return final_output

if __name__ == "__main__":
    import jax
    _d = setup_inputs()
    print(jax.jit(kernel)(*tuple(_d.values())))

</pallas_src>

<mosaic_0001>
#map = affine_map<(d0, d1) -> (0, 0)>
#map1 = affine_map<(d0, d1) -> (0)>
module attributes {stable_mosaic.version = 14 : i64} {
  func.func @_sc_scatter_rows(%arg0: i32, %arg1: i32, %arg2: memref<2048x1024xf32, #tpu.memory_space<hbm>>, %arg3: memref<2048xi32, #tpu.memory_space<hbm>>, %arg4: memref<3072x1024xf32, #tpu.memory_space<hbm>>, %arg5: memref<64xi32, #tpu.memory_space<vmem>>, %arg6: memref<64x1024xf32, #tpu.memory_space<vmem>>, %arg7: memref<!tpu.dma_semaphore, #tpu.memory_space<semaphore_mem>>) attributes {dimension_semantics = [#tpu.dimension_semantics<core_parallel>, #tpu.dimension_semantics<subcore_parallel>], iteration_bounds = array<i64: 2, 16>, scalar_prefetch = 0 : i64, scratch_operands = 3 : i64, tpu.core_type = #tpu.core_type<sc_vector_subcore>, window_params = [{transform_indices = #map}, {transform_indices = #map1}, {transform_indices = #map}]} {
    %mul3A = arith.constant 2 : i32
    %mul3A_0 = arith.muli %arg1, %mul3A : i32
    %add3A = arith.addi %mul3A_0, %arg0 : i32
    %mul3A_1 = arith.constant 64 : i32
    %mul3A_2 = arith.muli %add3A, %mul3A_1 : i32
    "tpu.region"() ({
      %run_scoped3A = tpu.sem_alloc : memref<!tpu.dma_semaphore, #tpu.memory_space<semaphore_mem>>
      %dma_start3A_7 = tpu.memref_slice %arg3[%mul3A_2] : memref<2048xi32, #tpu.memory_space<hbm>> -> memref<64xi32, #tpu.memory_space<hbm>>
      %dma_start3A_8 = tpu.memref_slice %arg3[%mul3A_2] : memref<2048xi32, #tpu.memory_space<hbm>> -> memref<64xi32, #tpu.memory_space<hbm>>
      tpu.enqueue_dma source(%dma_start3A_8 : memref<64xi32, #tpu.memory_space<hbm>>) target(%arg5 : memref<64xi32, #tpu.memory_space<vmem>>) target_semaphore(%run_scoped3A : memref<!tpu.dma_semaphore, #tpu.memory_space<semaphore_mem>>)
      %dma_wait3A_9 = tpu.memref_slice %arg3[%mul3A_2] : memref<2048xi32, #tpu.memory_space<hbm>> -> memref<64xi32, #tpu.memory_space<hbm>>
      %dma_wait3A_10 = tpu.memref_slice %arg3[%mul3A_2] : memref<2048xi32, #tpu.memory_space<hbm>> -> memref<64xi32, #tpu.memory_space<hbm>>
      tpu.wait_dma2 semaphore(%run_scoped3A : memref<!tpu.dma_semaphore, #tpu.memory_space<semaphore_mem>>) src(%dma_wait3A_10 : memref<64xi32, #tpu.memory_space<hbm>>) dst(%arg5 : memref<64xi32, #tpu.memory_space<vmem>>)
      tpu.yield
    }) : () -> ()
    "tpu.region"() ({
      %run_scoped3A = tpu.sem_alloc : memref<!tpu.dma_semaphore, #tpu.memory_space<semaphore_mem>>
      %dma_start3A_7 = arith.constant 0 : i32
      %dma_start3A_8 = tpu.memref_slice %arg2[%mul3A_2, %dma_start3A_7] : memref<2048x1024xf32, #tpu.memory_space<hbm>> -> memref<64x1024xf32, #tpu.memory_space<hbm>>
      %dma_start3A_9 = arith.constant 0 : i32
      %dma_start3A_10 = tpu.memref_slice %arg2[%mul3A_2, %dma_start3A_9] : memref<2048x1024xf32, #tpu.memory_space<hbm>> -> memref<64x1024xf32, #tpu.memory_space<hbm>>
      tpu.enqueue_dma source(%dma_start3A_10 : memref<64x1024xf32, #tpu.memory_space<hbm>>) target(%arg6 : memref<64x1024xf32, #tpu.memory_space<vmem>>) target_semaphore(%run_scoped3A : memref<!tpu.dma_semaphore, #tpu.memory_space<semaphore_mem>>)
      %dma_wait3A_11 = arith.constant 0 : i32
      %dma_wait3A_12 = tpu.memref_slice %arg2[%mul3A_2, %dma_wait3A_11] : memref<2048x1024xf32, #tpu.memory_space<hbm>> -> memref<64x1024xf32, #tpu.memory_space<hbm>>
      %dma_wait3A_13 = arith.constant 0 : i32
      %dma_wait3A_14 = tpu.memref_slice %arg2[%mul3A_2, %dma_wait3A_13] : memref<2048x1024xf32, #tpu.memory_space<hbm>> -> memref<64x1024xf32, #tpu.memory_space<hbm>>
      tpu.wait_dma2 semaphore(%run_scoped3A : memref<!tpu.dma_semaphore, #tpu.memory_space<semaphore_mem>>) src(%dma_wait3A_14 : memref<64x1024xf32, #tpu.memory_space<hbm>>) dst(%arg6 : memref<64x1024xf32, #tpu.memory_space<vmem>>)
      tpu.yield
    }) : () -> ()
    %dma_start3A = arith.constant 0 : i32
    %dma_start3A_3 = arith.constant 0 : i32
    %dma_start3A_4 = tpu.memref_slice %arg4[%dma_start3A, %dma_start3A_3] : memref<3072x1024xf32, #tpu.memory_space<hbm>> -> memref<3072x1024xf32, #tpu.memory_space<hbm>>
    tpu.enqueue_indirect_dma source(%arg6 : memref<64x1024xf32, #tpu.memory_space<vmem>>) target(%dma_start3A_4 : memref<3072x1024xf32, #tpu.memory_space<hbm>>) offsets(%arg5 : memref<64xi32, #tpu.memory_space<vmem>>) semaphore(%arg7 : memref<!tpu.dma_semaphore, #tpu.memory_space<semaphore_mem>>)
    %dma_wait3A = arith.constant 0 : i32
    %dma_wait3A_5 = arith.constant 0 : i32
    %dma_wait3A_6 = tpu.memref_slice %arg4[%dma_wait3A, %dma_wait3A_5] : memref<3072x1024xf32, #tpu.memory_space<hbm>> -> memref<3072x1024xf32, #tpu.memory_space<hbm>>
    tpu.wait_indirect_dma semaphore(%arg7 : memref<!tpu.dma_semaphore, #tpu.memory_space<semaphore_mem>>) src(%arg6 : memref<64x1024xf32, #tpu.memory_space<vmem>>) dst(%dma_wait3A_6 : memref<3072x1024xf32, #tpu.memory_space<hbm>>)
    return
  }
}

#map = affine_map<(d0, d1) -> (0, 0)>
#map1 = affine_map<(d0, d1) -> (0)>
module attributes {stable_mosaic.version = 14 : i64} {
  func.func @_sc_gather_rows(%arg0: i32, %arg1: i32, %arg2: memref<3072x1024xf32, #tpu.memory_space<hbm>>, %arg3: memref<2048xi32, #tpu.memory_space<hbm>>, %arg4: memref<2048x1024xf32, #tpu.memory_space<hbm>>, %arg5: memref<64xi32, #tpu.memory_space<vmem>>, %arg6: memref<64x1024xf32, #tpu.memory_space<vmem>>, %arg7: memref<!tpu.dma_semaphore, #tpu.memory_space<semaphore_mem>>) attributes {dimension_semantics = [#tpu.dimension_semantics<core_parallel>, #tpu.dimension_semantics<subcore_parallel>], iteration_bounds = array<i64: 2, 16>, scalar_prefetch = 0 : i64, scratch_operands = 3 : i64, tpu.core_type = #tpu.core_type<sc_vector_subcore>, window_params = [{transform_indices = #map}, {transform_indices = #map1}, {transform_indices = #map}]} {
    %mul3A = arith.constant 2 : i32
    %mul3A_0 = arith.muli %arg1, %mul3A : i32
    %add3A = arith.addi %mul3A_0, %arg0 : i32
    %mul3A_1 = arith.constant 64 : i32
    %mul3A_2 = arith.muli %add3A, %mul3A_1 : i32
    "tpu.region"() ({
      %run_scoped3A = tpu.sem_alloc : memref<!tpu.dma_semaphore, #tpu.memory_space<semaphore_mem>>
      %dma_start3A_7 = tpu.memref_slice %arg3[%mul3A_2] : memref<2048xi32, #tpu.memory_space<hbm>> -> memref<64xi32, #tpu.memory_space<hbm>>
      %dma_start3A_8 = tpu.memref_slice %arg3[%mul3A_2] : memref<2048xi32, #tpu.memory_space<hbm>> -> memref<64xi32, #tpu.memory_space<hbm>>
      tpu.enqueue_dma source(%dma_start3A_8 : memref<64xi32, #tpu.memory_space<hbm>>) target(%arg5 : memref<64xi32, #tpu.memory_space<vmem>>) target_semaphore(%run_scoped3A : memref<!tpu.dma_semaphore, #tpu.memory_space<semaphore_mem>>)
      %dma_wait3A_9 = tpu.memref_slice %arg3[%mul3A_2] : memref<2048xi32, #tpu.memory_space<hbm>> -> memref<64xi32, #tpu.memory_space<hbm>>
      %dma_wait3A_10 = tpu.memref_slice %arg3[%mul3A_2] : memref<2048xi32, #tpu.memory_space<hbm>> -> memref<64xi32, #tpu.memory_space<hbm>>
      tpu.wait_dma2 semaphore(%run_scoped3A : memref<!tpu.dma_semaphore, #tpu.memory_space<semaphore_mem>>) src(%dma_wait3A_10 : memref<64xi32, #tpu.memory_space<hbm>>) dst(%arg5 : memref<64xi32, #tpu.memory_space<vmem>>)
      tpu.yield
    }) : () -> ()
    %dma_start3A = arith.constant 0 : i32
    %dma_start3A_3 = arith.constant 0 : i32
    %dma_start3A_4 = tpu.memref_slice %arg2[%dma_start3A, %dma_start3A_3] : memref<3072x1024xf32, #tpu.memory_space<hbm>> -> memref<3072x1024xf32, #tpu.memory_space<hbm>>
    tpu.enqueue_indirect_dma source(%dma_start3A_4 : memref<3072x1024xf32, #tpu.memory_space<hbm>>) target(%arg6 : memref<64x1024xf32, #tpu.memory_space<vmem>>) offsets(%arg5 : memref<64xi32, #tpu.memory_space<vmem>>) semaphore(%arg7 : memref<!tpu.dma_semaphore, #tpu.memory_space<semaphore_mem>>)
    %dma_wait3A = arith.constant 0 : i32
    %dma_wait3A_5 = arith.constant 0 : i32
    %dma_wait3A_6 = tpu.memref_slice %arg2[%dma_wait3A, %dma_wait3A_5] : memref<3072x1024xf32, #tpu.memory_space<hbm>> -> memref<3072x1024xf32, #tpu.memory_space<hbm>>
    tpu.wait_indirect_dma semaphore(%arg7 : memref<!tpu.dma_semaphore, #tpu.memory_space<semaphore_mem>>) src(%dma_wait3A_6 : memref<3072x1024xf32, #tpu.memory_space<hbm>>) dst(%arg6 : memref<64x1024xf32, #tpu.memory_space<vmem>>)
    "tpu.region"() ({
      %run_scoped3A = tpu.sem_alloc : memref<!tpu.dma_semaphore, #tpu.memory_space<semaphore_mem>>
      %dma_start3A_7 = arith.constant 0 : i32
      %dma_start3A_8 = tpu.memref_slice %arg4[%mul3A_2, %dma_start3A_7] : memref<2048x1024xf32, #tpu.memory_space<hbm>> -> memref<64x1024xf32, #tpu.memory_space<hbm>>
      %dma_start3A_9 = arith.constant 0 : i32
      %dma_start3A_10 = tpu.memref_slice %arg4[%mul3A_2, %dma_start3A_9] : memref<2048x1024xf32, #tpu.memory_space<hbm>> -> memref<64x1024xf32, #tpu.memory_space<hbm>>
      tpu.enqueue_dma source(%arg6 : memref<64x1024xf32, #tpu.memory_space<vmem>>) target(%dma_start3A_10 : memref<64x1024xf32, #tpu.memory_space<hbm>>) target_semaphore(%run_scoped3A : memref<!tpu.dma_semaphore, #tpu.memory_space<semaphore_mem>>)
      %dma_wait3A_11 = arith.constant 0 : i32
      %dma_wait3A_12 = tpu.memref_slice %arg4[%mul3A_2, %dma_wait3A_11] : memref<2048x1024xf32, #tpu.memory_space<hbm>> -> memref<64x1024xf32, #tpu.memory_space<hbm>>
      %dma_wait3A_13 = arith.constant 0 : i32
      %dma_wait3A_14 = tpu.memref_slice %arg4[%mul3A_2, %dma_wait3A_13] : memref<2048x1024xf32, #tpu.memory_space<hbm>> -> memref<64x1024xf32, #tpu.memory_space<hbm>>
      tpu.wait_dma2 semaphore(%run_scoped3A : memref<!tpu.dma_semaphore, #tpu.memory_space<semaphore_mem>>) src(%arg6 : memref<64x1024xf32, #tpu.memory_space<vmem>>) dst(%dma_wait3A_14 : memref<64x1024xf32, #tpu.memory_space<hbm>>)
      tpu.yield
    }) : () -> ()
    return
  }
}

module attributes {stable_mosaic.version = 14 : i64} {
  func.func @_router_body(%arg0: memref<2048x1024xf32, #tpu.memory_space<vmem>>, %arg1: memref<1024x128xf32, #tpu.memory_space<vmem>>, %arg2: memref<1x128xf32, #tpu.memory_space<vmem>>, %arg3: memref<2048x1xi32, #tpu.memory_space<vmem>>, %arg4: memref<9x1xi32, #tpu.memory_space<vmem>>) attributes {dimension_semantics = [], scalar_prefetch = 0 : i64, scratch_operands = 0 : i64, tpu.core_type = #tpu.core_type<tc>} {
    %get3A = arith.constant 0 : index
    %get3A_0 = arith.constant 0 : index
    %get3A_1 = vector.load %arg0[%get3A, %get3A_0] : memref<2048x1024xf32, #tpu.memory_space<vmem>>, vector<2048x1024xf32>
    %convert_element_type3A = arith.truncf %get3A_1 : vector<2048x1024xf32> to vector<2048x1024xbf16>
    %get3A_2 = arith.constant 0 : index
    %get3A_3 = arith.constant 0 : index
    %get3A_4 = vector.load %arg1[%get3A_2, %get3A_3] : memref<1024x128xf32, #tpu.memory_space<vmem>>, vector<1024x128xf32>
    %convert_element_type3A_5 = arith.truncf %get3A_4 : vector<1024x128xf32> to vector<1024x128xbf16>
    %dot_general3A = arith.constant dense<0.000000e+00> : vector<2048x128xf32>
    %dot_general3A_6 = tpu.matmul %convert_element_type3A, %convert_element_type3A_5, %dot_general3A {dimension_numbers = #tpu.dot_dimension_numbers<[1], [0], [0], [1], [0, 0, 1, 1], [], []>, transpose_lhs_hint = false} : vector<2048x1024xbf16>, vector<1024x128xbf16>, vector<2048x128xf32> -> vector<2048x128xf32>
    %get3A_7 = arith.constant 0 : index
    %get3A_8 = arith.constant 0 : index
    %get3A_9 = vector.load %arg2[%get3A_7, %get3A_8] : memref<1x128xf32, #tpu.memory_space<vmem>>, vector<1x128xf32>
    %add3A = vector.broadcast %get3A_9 : vector<1x128xf32> to vector<2048x128xf32>
    %add3A_10 = arith.addf %dot_general3A_6, %add3A : vector<2048x128xf32>
    %iota3A = tpu.iota {dimensions = array<i32: 1>} : vector<2048x128xi32>
    %lt3A = arith.constant 8 : i32
    %lt3A_11 = vector.broadcast %lt3A : i32 to vector<2048x128xi32>
    %lt3A_12 = arith.cmpi slt, %iota3A, %lt3A_11 : vector<2048x128xi32>
    %jit3A = arith.constant -1.000000e+30 : f32
    %broadcast_in_dim3A = vector.broadcast %jit3A : f32 to vector<2048x128xf32>
    %select_n3A = arith.select %lt3A_12, %add3A_10, %broadcast_in_dim3A : vector<2048x128xi1>, vector<2048x128xf32>
    %reduce_max3A = arith.constant dense<0xFF800000> : vector<2048xf32>
    %reduce_max3A_13 = vector.multi_reduction <maximumf>, %select_n3A, %reduce_max3A [1] : vector<2048x128xf32> to vector<2048xf32>
    %broadcast_in_dim3A_14 = vector.shape_cast %reduce_max3A_13 : vector<2048xf32> to vector<2048x1xf32>
    %eq3A = vector.broadcast %broadcast_in_dim3A_14 : vector<2048x1xf32> to vector<2048x128xf32>
    %eq3A_15 = arith.cmpf oeq, %select_n3A, %eq3A : vector<2048x128xf32>
    %jit3A_16 = arith.constant 128 : i32
    %broadcast_in_dim3A_17 = vector.broadcast %jit3A_16 : i32 to vector<2048x128xi32>
    %select_n3A_18 = arith.select %eq3A_15, %iota3A, %broadcast_in_dim3A_17 : vector<2048x128xi1>, vector<2048x128xi32>
    %reduce_min3A = arith.constant dense<2147483647> : vector<2048xi32>
    %reduce_min3A_19 = vector.multi_reduction <minsi>, %select_n3A_18, %reduce_min3A [1] : vector<2048x128xi32> to vector<2048xi32>
    %broadcast_in_dim3A_20 = vector.shape_cast %reduce_min3A_19 : vector<2048xi32> to vector<2048x1xi32>
    %eq3A_21 = vector.broadcast %broadcast_in_dim3A_20 : vector<2048x1xi32> to vector<2048x128xi32>
    %eq3A_22 = arith.cmpi eq, %iota3A, %eq3A_21 : vector<2048x128xi32>
    %jit3A_23 = arith.constant 1.000000e+00 : f32
    %jit3A_24 = arith.constant 0.000000e+00 : f32
    %broadcast_in_dim3A_25 = vector.broadcast %jit3A_23 : f32 to vector<2048x128xf32>
    %broadcast_in_dim3A_26 = vector.broadcast %jit3A_24 : f32 to vector<2048x128xf32>
    %select_n3A_27 = arith.select %eq3A_22, %broadcast_in_dim3A_25, %broadcast_in_dim3A_26 : vector<2048x128xi1>, vector<2048x128xf32>
    %iota3A_28 = tpu.iota {dimensions = array<i32: 0>} : vector<128x128xi32>
    %iota3A_29 = tpu.iota {dimensions = array<i32: 1>} : vector<128x128xi32>
    %ge3A = arith.cmpi sge, %iota3A_28, %iota3A_29 : vector<128x128xi32>
    %jit3A_30 = arith.constant 1.000000e+00 : f32
    %jit3A_31 = arith.constant 0.000000e+00 : f32
    %broadcast_in_dim3A_32 = vector.broadcast %jit3A_30 : f32 to vector<128x128xf32>
    %broadcast_in_dim3A_33 = vector.broadcast %jit3A_31 : f32 to vector<128x128xf32>
    %select_n3A_34 = arith.select %ge3A, %broadcast_in_dim3A_32, %broadcast_in_dim3A_33 : vector<128x128xi1>, vector<128x128xf32>
    %broadcast_in_dim3A_35 = arith.constant 0.000000e+00 : f32
    %broadcast_in_dim3A_36 = vector.broadcast %broadcast_in_dim3A_35 : f32 to vector<1x128xf32>
    %slice3A = vector.extract_strided_slice %select_n3A_27 {offsets = [0, 0], sizes = [128, 128], strides = [1, 1]} : vector<2048x128xf32> to vector<128x128xf32>
    %dot_general3A_37 = arith.constant dense<0.000000e+00> : vector<128x128xf32>
    %dot_general3A_38 = tpu.matmul %select_n3A_34, %slice3A, %dot_general3A_37 {dimension_numbers = #tpu.dot_dimension_numbers<[1], [0], [0], [1], [0, 0, 1, 1], [], []>, transpose_lhs_hint = false} : vector<128x128xf32>, vector<128x128xf32>, vector<128x128xf32> -> vector<128x128xf32>
    %add3A_39 = vector.broadcast %broadcast_in_dim3A_36 : vector<1x128xf32> to vector<128x128xf32>
    %add3A_40 = arith.addf %dot_general3A_38, %add3A_39 : vector<128x128xf32>
    %slice3A_41 = vector.extract_strided_slice %add3A_40 {offsets = [127, 0], sizes = [1, 128], strides = [1, 1]} : vector<128x128xf32> to vector<1x128xf32>
    %slice3A_42 = vector.extract_strided_slice %select_n3A_27 {offsets = [128, 0], sizes = [128, 128], strides = [1, 1]} : vector<2048x128xf32> to vector<128x128xf32>
    %dot_general3A_43 = arith.constant dense<0.000000e+00> : vector<128x128xf32>
    %dot_general3A_44 = tpu.matmul %select_n3A_34, %slice3A_42, %dot_general3A_43 {dimension_numbers = #tpu.dot_dimension_numbers<[1], [0], [0], [1], [0, 0, 1, 1], [], []>, transpose_lhs_hint = false} : vector<128x128xf32>, vector<128x128xf32>, vector<128x128xf32> -> vector<128x128xf32>
    %add3A_45 = vector.broadcast %slice3A_41 : vector<1x128xf32> to vector<128x128xf32>
    %add3A_46 = arith.addf %dot_general3A_44, %add3A_45 : vector<128x128xf32>
    %slice3A_47 = vector.extract_strided_slice %add3A_46 {offsets = [127, 0], sizes = [1, 128], strides = [1, 1]} : vector<128x128xf32> to vector<1x128xf32>
    %slice3A_48 = vector.extract_strided_slice %select_n3A_27 {offsets = [256, 0], sizes = [128, 128], strides = [1, 1]} : vector<2048x128xf32> to vector<128x128xf32>
    %dot_general3A_49 = arith.constant dense<0.000000e+00> : vector<128x128xf32>
    %dot_general3A_50 = tpu.matmul %select_n3A_34, %slice3A_48, %dot_general3A_49 {dimension_numbers = #tpu.dot_dimension_numbers<[1], [0], [0], [1], [0, 0, 1, 1], [], []>, transpose_lhs_hint = false} : vector<128x128xf32>, vector<128x128xf32>, vector<128x128xf32> -> vector<128x128xf32>
    %add3A_51 = vector.broadcast %slice3A_47 : vector<1x128xf32> to vector<128x128xf32>
    %add3A_52 = arith.addf %dot_general3A_50, %add3A_51 : vector<128x128xf32>
    %slice3A_53 = vector.extract_strided_slice %add3A_52 {offsets = [127, 0], sizes = [1, 128], strides = [1, 1]} : vector<128x128xf32> to vector<1x128xf32>
    %slice3A_54 = vector.extract_strided_slice %select_n3A_27 {offsets = [384, 0], sizes = [128, 128], strides = [1, 1]} : vector<2048x128xf32> to vector<128x128xf32>
    %dot_general3A_55 = arith.constant dense<0.000000e+00> : vector<128x128xf32>
    %dot_general3A_56 = tpu.matmul %select_n3A_34, %slice3A_54, %dot_general3A_55 {dimension_numbers = #tpu.dot_dimension_numbers<[1], [0], [0], [1], [0, 0, 1, 1], [], []>, transpose_lhs_hint = false} : vector<128x128xf32>, vector<128x128xf32>, vector<128x128xf32> -> vector<128x128xf32>
    %add3A_57 = vector.broadcast %slice3A_53 : vector<1x128xf32> to vector<128x128xf32>
    %add3A_58 = arith.addf %dot_general3A_56, %add3A_57 : vector<128x128xf32>
    %slice3A_59 = vector.extract_strided_slice %add3A_58 {offsets = [127, 0], sizes = [1, 128], strides = [1, 1]} : vector<128x128xf32> to vector<1x128xf32>
    %slice3A_60 = vector.extract_strided_slice %select_n3A_27 {offsets = [512, 0], sizes = [128, 128], strides = [1, 1]} : vector<2048x128xf32> to vector<128x128xf32>
    %dot_general3A_61 = arith.constant dense<0.000000e+00> : vector<128x128xf32>
    %dot_general3A_62 = tpu.matmul %select_n3A_34, %slice3A_60, %dot_general3A_61 {dimension_numbers = #tpu.dot_dimension_numbers<[1], [0], [0], [1], [0, 0, 1, 1], [], []>, transpose_lhs_hint = false} : vector<128x128xf32>, vector<128x128xf32>, vector<128x128xf32> -> vector<128x128xf32>
    %add3A_63 = vector.broadcast %slice3A_59 : vector<1x128xf32> to vector<128x128xf32>
    %add3A_64 = arith.addf %dot_general3A_62, %add3A_63 : vector<128x128xf32>
    %slice3A_65 = vector.extract_strided_slice %add3A_64 {offsets = [127, 0], sizes = [1, 128], strides = [1, 1]} : vector<128x128xf32> to vector<1x128xf32>
    %slice3A_66 = vector.extract_strided_slice %select_n3A_27 {offsets = [640, 0], sizes = [128, 128], strides = [1, 1]} : vector<2048x128xf32> to vector<128x128xf32>
    %dot_general3A_67 = arith.constant dense<0.000000e+00> : vector<128x128xf32>
    %dot_general3A_68 = tpu.matmul %select_n3A_34, %slice3A_66, %dot_general3A_67 {dimension_numbers = #tpu.dot_dimension_numbers<[1], [0], [0], [1], [0, 0, 1, 1], [], []>, transpose_lhs_hint = false} : vector<128x128xf32>, vector<128x128xf32>, vector<128x128xf32> -> vector<128x128xf32>
    %add3A_69 = vector.broadcast %slice3A_65 : vector<1x128xf32> to vector<128x128xf32>
    %add3A_70 = arith.addf %dot_general3A_68, %add3A_69 : vector<128x128xf32>
    %slice3A_71 = vector.extract_strided_slice %add3A_70 {offsets = [127, 0], sizes = [1, 128], strides = [1, 1]} : vector<128x128xf32> to vector<1x128xf32>
    %slice3A_72 = vector.extract_strided_slice %select_n3A_27 {offsets = [768, 0], sizes = [128, 128], strides = [1, 1]} : vector<2048x128xf32> to vector<128x128xf32>
    %dot_general3A_73 = arith.constant dense<0.000000e+00> : vector<128x128xf32>
    %dot_general3A_74 = tpu.matmul %select_n3A_34, %slice3A_72, %dot_general3A_73 {dimension_numbers = #tpu.dot_dimension_numbers<[1], [0], [0], [1], [0, 0, 1, 1], [], []>, transpose_lhs_hint = false} : vector<128x128xf32>, vector<128x128xf32>, vector<128x128xf32> -> vector<128x128xf32>
    %add3A_75 = vector.broadcast %slice3A_71 : vector<1x128xf32> to vector<128x128xf32>
    %add3A_76 = arith.addf %dot_general3A_74, %add3A_75 : vector<128x128xf32>
    %slice3A_77 = vector.extract_strided_slice %add3A_76 {offsets = [127, 0], sizes = [1, 128], strides = [1, 1]} : vector<128x128xf32> to vector<1x128xf32>
    %slice3A_78 = vector.extract_strided_slice %select_n3A_27 {offsets = [896, 0], sizes = [128, 128], strides = [1, 1]} : vector<2048x128xf32> to vector<128x128xf32>
    %dot_general3A_79 = arith.constant dense<0.000000e+00> : vector<128x128xf32>
    %dot_general3A_80 = tpu.matmul %select_n3A_34, %slice3A_78, %dot_general3A_79 {dimension_numbers = #tpu.dot_dimension_numbers<[1], [0], [0], [1], [0, 0, 1, 1], [], []>, transpose_lhs_hint = false} : vector<128x128xf32>, vector<128x128xf32>, vector<128x128xf32> -> vector<128x128xf32>
    %add3A_81 = vector.broadcast %slice3A_77 : vector<1x128xf32> to vector<128x128xf32>
    %add3A_82 = arith.addf %dot_general3A_80, %add3A_81 : vector<128x128xf32>
    %slice3A_83 = vector.extract_strided_slice %add3A_82 {offsets = [127, 0], sizes = [1, 128], strides = [1, 1]} : vector<128x128xf32> to vector<1x128xf32>
    %slice3A_84 = vector.extract_strided_slice %select_n3A_27 {offsets = [1024, 0], sizes = [128, 128], strides = [1, 1]} : vector<2048x128xf32> to vector<128x128xf32>
    %dot_general3A_85 = arith.constant dense<0.000000e+00> : vector<128x128xf32>
    %dot_general3A_86 = tpu.matmul %select_n3A_34, %slice3A_84, %dot_general3A_85 {dimension_numbers = #tpu.dot_dimension_numbers<[1], [0], [0], [1], [0, 0, 1, 1], [], []>, transpose_lhs_hint = false} : vector<128x128xf32>, vector<128x128xf32>, vector<128x128xf32> -> vector<128x128xf32>
    %add3A_87 = vector.broadcast %slice3A_83 : vector<1x128xf32> to vector<128x128xf32>
    %add3A_88 = arith.addf %dot_general3A_86, %add3A_87 : vector<128x128xf32>
    %slice3A_89 = vector.extract_strided_slice %add3A_88 {offsets = [127, 0], sizes = [1, 128], strides = [1, 1]} : vector<128x128xf32> to vector<1x128xf32>
    %slice3A_90 = vector.extract_strided_slice %select_n3A_27 {offsets = [1152, 0], sizes = [128, 128], strides = [1, 1]} : vector<2048x128xf32> to vector<128x128xf32>
    %dot_general3A_91 = arith.constant dense<0.000000e+00> : vector<128x128xf32>
    %dot_general3A_92 = tpu.matmul %select_n3A_34, %slice3A_90, %dot_general3A_91 {dimension_numbers = #tpu.dot_dimension_numbers<[1], [0], [0], [1], [0, 0, 1, 1], [], []>, transpose_lhs_hint = false} : vector<128x128xf32>, vector<128x128xf32>, vector<128x128xf32> -> vector<128x128xf32>
    %add3A_93 = vector.broadcast %slice3A_89 : vector<1x128xf32> to vector<128x128xf32>
    %add3A_94 = arith.addf %dot_general3A_92, %add3A_93 : vector<128x128xf32>
    %slice3A_95 = vector.extract_strided_slice %add3A_94 {offsets = [127, 0], sizes = [1, 128], strides = [1, 1]} : vector<128x128xf32> to vector<1x128xf32>
    %slice3A_96 = vector.extract_strided_slice %select_n3A_27 {offsets = [1280, 0], sizes = [128, 128], strides = [1, 1]} : vector<2048x128xf32> to vector<128x128xf32>
    %dot_general3A_97 = arith.constant dense<0.000000e+00> : vector<128x128xf32>
    %dot_general3A_98 = tpu.matmul %select_n3A_34, %slice3A_96, %dot_general3A_97 {dimension_numbers = #tpu.dot_dimension_numbers<[1], [0], [0], [1], [0, 0, 1, 1], [], []>, transpose_lhs_hint = false} : vector<128x128xf32>, vector<128x128xf32>, vector<128x128xf32> -> vector<128x128xf32>
    %add3A_99 = vector.broadcast %slice3A_95 : vector<1x128xf32> to vector<128x128xf32>
    %add3A_100 = arith.addf %dot_general3A_98, %add3A_99 : vector<128x128xf32>
    %slice3A_101 = vector.extract_strided_slice %add3A_100 {offsets = [127, 0], sizes = [1, 128], strides = [1, 1]} : vector<128x128xf32> to vector<1x128xf32>
    %slice3A_102 = vector.extract_strided_slice %select_n3A_27 {offsets = [1408, 0], sizes = [128, 128], strides = [1, 1]} : vector<2048x128xf32> to vector<128x128xf32>
    %dot_general3A_103 = arith.constant dense<0.000000e+00> : vector<128x128xf32>
    %dot_general3A_104 = tpu.matmul %select_n3A_34, %slice3A_102, %dot_general3A_103 {dimension_numbers = #tpu.dot_dimension_numbers<[1], [0], [0], [1], [0, 0, 1, 1], [], []>, transpose_lhs_hint = false} : vector<128x128xf32>, vector<128x128xf32>, vector<128x128xf32> -> vector<128x128xf32>
    %add3A_105 = vector.broadcast %slice3A_101 : vector<1x128xf32> to vector<128x128xf32>
    %add3A_106 = arith.addf %dot_general3A_104, %add3A_105 : vector<128x128xf32>
    %slice3A_107 = vector.extract_strided_slice %add3A_106 {offsets = [127, 0], sizes = [1, 128], strides = [1, 1]} : vector<128x128xf32> to vector<1x128xf32>
    %slice3A_108 = vector.extract_strided_slice %select_n3A_27 {offsets = [1536, 0], sizes = [128, 128], strides = [1, 1]} : vector<2048x128xf32> to vector<128x128xf32>
    %dot_general3A_109 = arith.constant dense<0.000000e+00> : vector<128x128xf32>
    %dot_general3A_110 = tpu.matmul %select_n3A_34, %slice3A_108, %dot_general3A_109 {dimension_numbers = #tpu.dot_dimension_numbers<[1], [0], [0], [1], [0, 0, 1, 1], [], []>, transpose_lhs_hint = false} : vector<128x128xf32>, vector<128x128xf32>, vector<128x128xf32> -> vector<128x128xf32>
    %add3A_111 = vector.broadcast %slice3A_107 : vector<1x128xf32> to vector<128x128xf32>
    %add3A_112 = arith.addf %dot_general3A_110, %add3A_111 : vector<128x128xf32>
    %slice3A_113 = vector.extract_strided_slice %add3A_112 {offsets = [127, 0], sizes = [1, 128], strides = [1, 1]} : vector<128x128xf32> to vector<1x128xf32>
    %slice3A_114 = vector.extract_strided_slice %select_n3A_27 {offsets = [1664, 0], sizes = [128, 128], strides = [1, 1]} : vector<2048x128xf32> to vector<128x128xf32>
    %dot_general3A_115 = arith.constant dense<0.000000e+00> : vector<128x128xf32>
    %dot_general3A_116 = tpu.matmul %select_n3A_34, %slice3A_114, %dot_general3A_115 {dimension_numbers = #tpu.dot_dimension_numbers<[1], [0], [0], [1], [0, 0, 1, 1], [], []>, transpose_lhs_hint = false} : vector<128x128xf32>, vector<128x128xf32>, vector<128x128xf32> -> vector<128x128xf32>
    %add3A_117 = vector.broadcast %slice3A_113 : vector<1x128xf32> to vector<128x128xf32>
    %add3A_118 = arith.addf %dot_general3A_116, %add3A_117 : vector<128x128xf32>
    %slice3A_119 = vector.extract_strided_slice %add3A_118 {offsets = [127, 0], sizes = [1, 128], strides = [1, 1]} : vector<128x128xf32> to vector<1x128xf32>
    %slice3A_120 = vector.extract_strided_slice %select_n3A_27 {offsets = [1792, 0], sizes = [128, 128], strides = [1, 1]} : vector<2048x128xf32> to vector<128x128xf32>
    %dot_general3A_121 = arith.constant dense<0.000000e+00> : vector<128x128xf32>
    %dot_general3A_122 = tpu.matmul %select_n3A_34, %slice3A_120, %dot_general3A_121 {dimension_numbers = #tpu.dot_dimension_numbers<[1], [0], [0], [1], [0, 0, 1, 1], [], []>, transpose_lhs_hint = false} : vector<128x128xf32>, vector<128x128xf32>, vector<128x128xf32> -> vector<128x128xf32>
    %add3A_123 = vector.broadcast %slice3A_119 : vector<1x128xf32> to vector<128x128xf32>
    %add3A_124 = arith.addf %dot_general3A_122, %add3A_123 : vector<128x128xf32>
    %slice3A_125 = vector.extract_strided_slice %add3A_124 {offsets = [127, 0], sizes = [1, 128], strides = [1, 1]} : vector<128x128xf32> to vector<1x128xf32>
    %slice3A_126 = vector.extract_strided_slice %select_n3A_27 {offsets = [1920, 0], sizes = [128, 128], strides = [1, 1]} : vector<2048x128xf32> to vector<128x128xf32>
    %dot_general3A_127 = arith.constant dense<0.000000e+00> : vector<128x128xf32>
    %dot_general3A_128 = tpu.matmul %select_n3A_34, %slice3A_126, %dot_general3A_127 {dimension_numbers = #tpu.dot_dimension_numbers<[1], [0], [0], [1], [0, 0, 1, 1], [], []>, transpose_lhs_hint = false} : vector<128x128xf32>, vector<128x128xf32>, vector<128x128xf32> -> vector<128x128xf32>
    %add3A_129 = vector.broadcast %slice3A_125 : vector<1x128xf32> to vector<128x128xf32>
    %add3A_130 = arith.addf %dot_general3A_128, %add3A_129 : vector<128x128xf32>
    %concatenate3A = tpu.concatenate %add3A_40, %add3A_46, %add3A_52, %add3A_58, %add3A_64, %add3A_70, %add3A_76, %add3A_82, %add3A_88, %add3A_94, %add3A_100, %add3A_106, %add3A_112, %add3A_118, %add3A_124, %add3A_130 in 0 : vector<128x128xf32>, vector<128x128xf32>, vector<128x128xf32>, vector<128x128xf32>, vector<128x128xf32>, vector<128x128xf32>, vector<128x128xf32>, vector<128x128xf32>, vector<128x128xf32>, vector<128x128xf32>, vector<128x128xf32>, vector<128x128xf32>, vector<128x128xf32>, vector<128x128xf32>, vector<128x128xf32>, vector<128x128xf32> -> vector<2048x128xf32>
    %mul3A = arith.mulf %select_n3A_27, %concatenate3A : vector<2048x128xf32>
    %reduce_sum3A = arith.constant dense<0.000000e+00> : vector<2048xf32>
    %reduce_sum3A_131 = vector.multi_reduction <add>, %mul3A, %reduce_sum3A [1] : vector<2048x128xf32> to vector<2048xf32>
    %broadcast_in_dim3A_132 = vector.shape_cast %reduce_sum3A_131 : vector<2048xf32> to vector<2048x1xf32>
    %convert_element_type3A_133 = arith.fptosi %broadcast_in_dim3A_132 : vector<2048x1xf32> to vector<2048x1xi32>
    %sub3A = arith.constant 1 : i32
    %sub3A_134 = vector.broadcast %sub3A : i32 to vector<2048x1xi32>
    %sub3A_135 = arith.subi %convert_element_type3A_133, %sub3A_134 : vector<2048x1xi32>
    %slice3A_136 = vector.extract_strided_slice %concatenate3A {offsets = [2047, 0], sizes = [1, 128], strides = [1, 1]} : vector<2048x128xf32> to vector<1x128xf32>
    %convert_element_type3A_137 = arith.fptosi %slice3A_136 : vector<1x128xf32> to vector<1x128xi32>
    %iota3A_138 = tpu.iota {dimensions = array<i32: 1>} : vector<1x128xi32>
    %lt3A_139 = arith.constant 8 : i32
    %lt3A_140 = vector.broadcast %lt3A_139 : i32 to vector<1x128xi32>
    %lt3A_141 = arith.cmpi slt, %iota3A_138, %lt3A_140 : vector<1x128xi32>
    %add3A_142 = arith.constant 128 : i32
    %add3A_143 = vector.broadcast %add3A_142 : i32 to vector<1x128xi32>
    %add3A_144 = arith.addi %convert_element_type3A_137, %add3A_143 : vector<1x128xi32>
    %sub3A_145 = arith.constant 1 : i32
    %sub3A_146 = vector.broadcast %sub3A_145 : i32 to vector<1x128xi32>
    %sub3A_147 = arith.subi %add3A_144, %sub3A_146 : vector<1x128xi32>
    %jit3A_148 = arith.constant 128 : i32
    %div3A = vector.broadcast %jit3A_148 : i32 to vector<1x128xi32>
    %div3A_149 = arith.divsi %sub3A_147, %div3A : vector<1x128xi32>
    %sign3A = arith.constant 0 : i32
    %sign3A_150 = vector.broadcast %sign3A : i32 to vector<1x128xi32>
    %sign3A_151 = arith.cmpi sgt, %sub3A_147, %sign3A_150 : vector<1x128xi32>
    %sign3A_152 = arith.extui %sign3A_151 : vector<1x128xi1> to vector<1x128xi32>
    %sign3A_153 = arith.constant 0 : i32
    %sign3A_154 = vector.broadcast %sign3A_153 : i32 to vector<1x128xi32>
    %sign3A_155 = arith.cmpi slt, %sub3A_147, %sign3A_154 : vector<1x128xi32>
    %sign3A_156 = arith.extui %sign3A_155 : vector<1x128xi1> to vector<1x128xi32>
    %sign3A_157 = arith.subi %sign3A_152, %sign3A_156 : vector<1x128xi32>
    %sign3A_158 = arith.constant 0 : i32
    %sign3A_159 = arith.cmpi sgt, %jit3A_148, %sign3A_158 : i32
    %sign3A_160 = arith.extui %sign3A_159 : i1 to i32
    %sign3A_161 = arith.constant 0 : i32
    %sign3A_162 = arith.cmpi slt, %jit3A_148, %sign3A_161 : i32
    %sign3A_163 = arith.extui %sign3A_162 : i1 to i32
    %sign3A_164 = arith.subi %sign3A_160, %sign3A_163 : i32
    %ne3A = vector.broadcast %sign3A_164 : i32 to vector<1x128xi32>
    %ne3A_165 = arith.cmpi ne, %sign3A_157, %ne3A : vector<1x128xi32>
    %rem3A = vector.broadcast %jit3A_148 : i32 to vector<1x128xi32>
    %rem3A_166 = arith.remsi %sub3A_147, %rem3A : vector<1x128xi32>
    %ne3A_167 = arith.constant 0 : i32
    %ne3A_168 = vector.broadcast %ne3A_167 : i32 to vector<1x128xi32>
    %ne3A_169 = arith.cmpi ne, %rem3A_166, %ne3A_168 : vector<1x128xi32>
    %and3A = arith.andi %ne3A_165, %ne3A_169 : vector<1x128xi1>
    %sub3A_170 = arith.constant 1 : i32
    %sub3A_171 = vector.broadcast %sub3A_170 : i32 to vector<1x128xi32>
    %sub3A_172 = arith.subi %div3A_149, %sub3A_171 : vector<1x128xi32>
    %select_n3A_173 = arith.select %and3A, %sub3A_172, %div3A_149 : vector<1x128xi1>, vector<1x128xi32>
    %mul3A_174 = arith.constant 128 : i32
    %mul3A_175 = vector.broadcast %mul3A_174 : i32 to vector<1x128xi32>
    %mul3A_176 = arith.muli %select_n3A_173, %mul3A_175 : vector<1x128xi32>
    %jit3A_177 = arith.constant 0 : i32
    %broadcast_in_dim3A_178 = vector.broadcast %jit3A_177 : i32 to vector<1x128xi32>
    %select_n3A_179 = arith.select %lt3A_141, %mul3A_176, %broadcast_in_dim3A_178 : vector<1x128xi1>, vector<1x128xi32>
    %iota3A_180 = tpu.iota {dimensions = array<i32: 0>} : vector<128x128xi32>
    %iota3A_181 = tpu.iota {dimensions = array<i32: 1>} : vector<128x128xi32>
    %le3A = arith.cmpi sle, %iota3A_180, %iota3A_181 : vector<128x128xi32>
    %jit3A_182 = arith.constant 1.000000e+00 : f32
    %jit3A_183 = arith.constant 0.000000e+00 : f32
    %broadcast_in_dim3A_184 = vector.broadcast %jit3A_182 : f32 to vector<128x128xf32>
    %broadcast_in_dim3A_185 = vector.broadcast %jit3A_183 : f32 to vector<128x128xf32>
    %select_n3A_186 = arith.select %le3A, %broadcast_in_dim3A_184, %broadcast_in_dim3A_185 : vector<128x128xi1>, vector<128x128xf32>
    %convert_element_type3A_187 = arith.sitofp %select_n3A_179 : vector<1x128xi32> to vector<1x128xf32>
    %dot_general3A_188 = arith.constant dense<0.000000e+00> : vector<1x128xf32>
    %dot_general3A_189 = tpu.matmul %convert_element_type3A_187, %select_n3A_186, %dot_general3A_188 {dimension_numbers = #tpu.dot_dimension_numbers<[1], [0], [0], [1], [0, 0, 1, 1], [], []>, transpose_lhs_hint = false} : vector<1x128xf32>, vector<128x128xf32>, vector<1x128xf32> -> vector<1x128xf32>
    %convert_element_type3A_190 = arith.fptosi %dot_general3A_189 : vector<1x128xf32> to vector<1x128xi32>
    %sub3A_191 = arith.subi %convert_element_type3A_190, %select_n3A_179 : vector<1x128xi32>
    %convert_element_type3A_192 = arith.sitofp %sub3A_191 : vector<1x128xi32> to vector<1x128xf32>
    %mul3A_193 = vector.broadcast %convert_element_type3A_192 : vector<1x128xf32> to vector<2048x128xf32>
    %mul3A_194 = arith.mulf %select_n3A_27, %mul3A_193 : vector<2048x128xf32>
    %reduce_sum3A_195 = arith.constant dense<0.000000e+00> : vector<2048xf32>
    %reduce_sum3A_196 = vector.multi_reduction <add>, %mul3A_194, %reduce_sum3A_195 [1] : vector<2048x128xf32> to vector<2048xf32>
    %broadcast_in_dim3A_197 = vector.shape_cast %reduce_sum3A_196 : vector<2048xf32> to vector<2048x1xf32>
    %convert_element_type3A_198 = arith.fptosi %broadcast_in_dim3A_197 : vector<2048x1xf32> to vector<2048x1xi32>
    %add3A_199 = arith.addi %convert_element_type3A_198, %sub3A_135 : vector<2048x1xi32>
    %swap3A = arith.constant 0 : index
    %swap3A_200 = arith.constant 0 : index
    %swap3A_201 = vector.load %arg3[%swap3A, %swap3A_200] : memref<2048x1xi32, #tpu.memory_space<vmem>>, vector<2048x1xi32>
    tpu.vector_store %arg3[%swap3A, %swap3A_200], %add3A_199 {strides = array<i32>} : memref<2048x1xi32, #tpu.memory_space<vmem>>, vector<2048x1xi32>,
    %iota3A_202 = tpu.iota {dimensions = array<i32: 0>} : vector<9x128xi32>
    %iota3A_203 = tpu.iota {dimensions = array<i32: 1>} : vector<9x128xi32>
    %lt3A_204 = arith.cmpi slt, %iota3A_203, %iota3A_202 : vector<9x128xi32>
    %broadcast_in_dim3A_205 = vector.shape_cast %select_n3A_179 : vector<1x128xi32> to vector<1x128xi32>
    %broadcast_in_dim3A_206 = vector.broadcast %broadcast_in_dim3A_205 : vector<1x128xi32> to vector<9x128xi32>
    %jit3A_207 = arith.constant 0 : i32
    %broadcast_in_dim3A_208 = vector.broadcast %jit3A_207 : i32 to vector<9x128xi32>
    %select_n3A_209 = arith.select %lt3A_204, %broadcast_in_dim3A_206, %broadcast_in_dim3A_208 : vector<9x128xi1>, vector<9x128xi32>
    %reduce_sum3A_210 = arith.constant dense<0> : vector<9xi32>
    %reduce_sum3A_211 = vector.multi_reduction <add>, %select_n3A_209, %reduce_sum3A_210 [1] : vector<9x128xi32> to vector<9xi32>
    %broadcast_in_dim3A_212 = vector.shape_cast %reduce_sum3A_211 : vector<9xi32> to vector<9x1xi32>
    %jit3A_213 = arith.constant 128 : i32
    %div3A_214 = vector.broadcast %jit3A_213 : i32 to vector<9x1xi32>
    %div3A_215 = arith.divsi %broadcast_in_dim3A_212, %div3A_214 : vector<9x1xi32>
    %sign3A_216 = arith.constant 0 : i32
    %sign3A_217 = vector.broadcast %sign3A_216 : i32 to vector<9x1xi32>
    %sign3A_218 = arith.cmpi sgt, %broadcast_in_dim3A_212, %sign3A_217 : vector<9x1xi32>
    %sign3A_219 = arith.extui %sign3A_218 : vector<9x1xi1> to vector<9x1xi32>
    %sign3A_220 = arith.constant 0 : i32
    %sign3A_221 = vector.broadcast %sign3A_220 : i32 to vector<9x1xi32>
    %sign3A_222 = arith.cmpi slt, %broadcast_in_dim3A_212, %sign3A_221 : vector<9x1xi32>
    %sign3A_223 = arith.extui %sign3A_222 : vector<9x1xi1> to vector<9x1xi32>
    %sign3A_224 = arith.subi %sign3A_219, %sign3A_223 : vector<9x1xi32>
    %sign3A_225 = arith.constant 0 : i32
    %sign3A_226 = arith.cmpi sgt, %jit3A_213, %sign3A_225 : i32
    %sign3A_227 = arith.extui %sign3A_226 : i1 to i32
    %sign3A_228 = arith.constant 0 : i32
    %sign3A_229 = arith.cmpi slt, %jit3A_213, %sign3A_228 : i32
    %sign3A_230 = arith.extui %sign3A_229 : i1 to i32
    %sign3A_231 = arith.subi %sign3A_227, %sign3A_230 : i32
    %ne3A_232 = vector.broadcast %sign3A_231 : i32 to vector<9x1xi32>
    %ne3A_233 = arith.cmpi ne, %sign3A_224, %ne3A_232 : vector<9x1xi32>
    %rem3A_234 = vector.broadcast %jit3A_213 : i32 to vector<9x1xi32>
    %rem3A_235 = arith.remsi %broadcast_in_dim3A_212, %rem3A_234 : vector<9x1xi32>
    %ne3A_236 = arith.constant 0 : i32
    %ne3A_237 = vector.broadcast %ne3A_236 : i32 to vector<9x1xi32>
    %ne3A_238 = arith.cmpi ne, %rem3A_235, %ne3A_237 : vector<9x1xi32>
    %and3A_239 = arith.andi %ne3A_233, %ne3A_238 : vector<9x1xi1>
    %sub3A_240 = arith.constant 1 : i32
    %sub3A_241 = vector.broadcast %sub3A_240 : i32 to vector<9x1xi32>
    %sub3A_242 = arith.subi %div3A_215, %sub3A_241 : vector<9x1xi32>
    %select_n3A_243 = arith.select %and3A_239, %sub3A_242, %div3A_215 : vector<9x1xi1>, vector<9x1xi32>
    %swap3A_244 = arith.constant 0 : index
    %swap3A_245 = arith.constant 0 : index
    %swap3A_246 = vector.load %arg4[%swap3A_244, %swap3A_245] : memref<9x1xi32, #tpu.memory_space<vmem>>, vector<9x1xi32>
    tpu.vector_store %arg4[%swap3A_244, %swap3A_245], %select_n3A_243 {strides = array<i32>} : memref<9x1xi32, #tpu.memory_space<vmem>>, vector<9x1xi32>,
    return
  }
}

module attributes {stable_mosaic.version = 14 : i64} {
  func.func @_ffn_body(%arg0: i32, %arg1: i32, %arg2: memref<9xi32, #tpu.memory_space<smem>>, %arg3: memref<3072x1024xf32, #tpu.memory_space<vmem>>, %arg4: memref<1x1024x512xf32, #tpu.memory_space<vmem>>, %arg5: memref<1x1x512xf32, #tpu.memory_space<vmem>>, %arg6: memref<1x512x1024xf32, #tpu.memory_space<vmem>>, %arg7: memref<1x1x1024xf32, #tpu.memory_space<vmem>>, %arg8: memref<3072x1024xf32, #tpu.memory_space<vmem>>) attributes {dimension_semantics = [#tpu.dimension_semantics<arbitrary>, #tpu.dimension_semantics<arbitrary>], iteration_bounds = array<i64: 8, 4>, scalar_prefetch = 1 : i64, scratch_operands = 0 : i64, tpu.core_type = #tpu.core_type<tc>, window_params = [{pipeline_mode = #tpu.pipeline_mode<synchronous>, transform_indices = @transform_0, window_bounds = array<i64: 3072, 1024>}, {transform_indices = @transform_1, window_bounds = array<i64: 1, 1024, 512>}, {transform_indices = @transform_2, window_bounds = array<i64: 1, 1, 512>}, {transform_indices = @transform_3, window_bounds = array<i64: 1, 512, 1024>}, {transform_indices = @transform_4, window_bounds = array<i64: 1, 1, 1024>}, {pipeline_mode = #tpu.pipeline_mode<synchronous>, transform_indices = @transform_5, window_bounds = array<i64: 3072, 1024>}]} {
    %get3A = arith.index_cast %arg0 : i32 to index
    %get3A_0 = memref.load %arg2[%get3A] : memref<9xi32, #tpu.memory_space<smem>>
    %add3A = arith.constant 1 : i32
    %add3A_1 = arith.addi %arg0, %add3A : i32
    %get3A_2 = arith.index_cast %add3A_1 : i32 to index
    %get3A_3 = memref.load %arg2[%get3A_2] : memref<9xi32, #tpu.memory_space<smem>>
    %sub3A = arith.subi %get3A_3, %get3A_0 : i32
    %while3A = arith.constant 0 : i32
    %while3A_4 = arith.constant 0 : i32
    %while3A_5 = arith.subi %sub3A, %while3A_4 : i32
    %while3A_6 = arith.addi %while3A_4, %while3A_5 : i32
    %while3A_7 = arith.constant 1 : i32
    %while3A_8 = arith.divsi %while3A_5, %while3A_7 : i32
    %while3A_9 = arith.muli %while3A_8, %while3A_7 : i32
    %while3A_10 = arith.addi %while3A_4, %while3A_9 : i32
    %while3A_11 = arith.constant 1 : i32
    scf.for %while3A_13 = %while3A_4 to %while3A_10 step %while3A_11  : i32 {
      %add3A_14 = arith.addi %get3A_0, %while3A_13 : i32
      %mul3A = arith.constant 128 : i32
      %mul3A_15 = arith.muli %add3A_14, %mul3A : i32
      %multiple_of3A = tpu.assume_multiple %mul3A_15, 128 : i32
      %get3A_16 = arith.index_cast %multiple_of3A : i32 to index
      %get3A_17 = arith.constant 0 : index
      %get3A_18 = vector.load %arg3[%get3A_16, %get3A_17] : memref<3072x1024xf32, #tpu.memory_space<vmem>>, vector<128x1024xf32>
      %get3A_19 = arith.constant 0 : index
      %get3A_20 = arith.constant 0 : index
      %get3A_21 = arith.constant 0 : index
      %get3A_22 = vector.load %arg4[%get3A_19, %get3A_20, %get3A_21] : memref<1x1024x512xf32, #tpu.memory_space<vmem>>, vector<1x1024x512xf32>
      %get3A_23 = vector.shape_cast %get3A_22 : vector<1x1024x512xf32> to vector<1024x512xf32>
      %dot_general3A = arith.constant dense<0.000000e+00> : vector<128x512xf32>
      %dot_general3A_24 = tpu.matmul %get3A_18, %get3A_23, %dot_general3A {dimension_numbers = #tpu.dot_dimension_numbers<[1], [0], [0], [1], [0, 0, 1, 1], [], []>, transpose_lhs_hint = false} : vector<128x1024xf32>, vector<1024x512xf32>, vector<128x512xf32> -> vector<128x512xf32>
      %get3A_25 = arith.constant 0 : index
      %get3A_26 = arith.constant 0 : index
      %get3A_27 = arith.constant 0 : index
      %get3A_28 = vector.load %arg5[%get3A_25, %get3A_26, %get3A_27] : memref<1x1x512xf32, #tpu.memory_space<vmem>>, vector<1x1x512xf32>
      %get3A_29 = vector.shape_cast %get3A_28 : vector<1x1x512xf32> to vector<1x512xf32>
      %add3A_30 = vector.broadcast %get3A_29 : vector<1x512xf32> to vector<128x512xf32>
      %add3A_31 = arith.addf %dot_general3A_24, %add3A_30 : vector<128x512xf32>
      %mul3A_32 = arith.constant 5.000000e-01 : f32
      %mul3A_33 = vector.broadcast %mul3A_32 : f32 to vector<128x512xf32>
      %mul3A_34 = arith.mulf %mul3A_33, %add3A_31 : vector<128x512xf32>
      %mul3A_35 = arith.constant 0.707106769 : f32
      %mul3A_36 = vector.broadcast %mul3A_35 : f32 to vector<128x512xf32>
      %mul3A_37 = arith.mulf %add3A_31, %mul3A_36 : vector<128x512xf32>
      %erf3A = math.erf %mul3A_37 : vector<128x512xf32>
      %add3A_38 = arith.constant 1.000000e+00 : f32
      %add3A_39 = vector.broadcast %add3A_38 : f32 to vector<128x512xf32>
      %add3A_40 = arith.addf %add3A_39, %erf3A : vector<128x512xf32>
      %mul3A_41 = arith.mulf %mul3A_34, %add3A_40 : vector<128x512xf32>
      %get3A_42 = arith.constant 0 : index
      %get3A_43 = arith.constant 0 : index
      %get3A_44 = arith.constant 0 : index
      %get3A_45 = vector.load %arg6[%get3A_42, %get3A_43, %get3A_44] : memref<1x512x1024xf32, #tpu.memory_space<vmem>>, vector<1x512x1024xf32>
      %get3A_46 = vector.shape_cast %get3A_45 : vector<1x512x1024xf32> to vector<512x1024xf32>
      %dot_general3A_47 = arith.constant dense<0.000000e+00> : vector<128x1024xf32>
      %dot_general3A_48 = tpu.matmul %mul3A_41, %get3A_46, %dot_general3A_47 {dimension_numbers = #tpu.dot_dimension_numbers<[1], [0], [0], [1], [0, 0, 1, 1], [], []>, transpose_lhs_hint = false} : vector<128x512xf32>, vector<512x1024xf32>, vector<128x1024xf32> -> vector<128x1024xf32>
      %eq3A = arith.constant 0 : i32
      %eq3A_49 = arith.cmpi eq, %arg1, %eq3A : i32
      %convert_element_type3A = arith.extui %eq3A_49 : i1 to i32
      %cond3A = arith.constant 0 : i32
      %cond3A_50 = arith.cmpi ne, %convert_element_type3A, %cond3A : i32
      scf.if %cond3A_50 {
        %get3A_55 = arith.constant 0 : index
        %get3A_56 = arith.constant 0 : index
        %get3A_57 = arith.constant 0 : index
        %get3A_58 = vector.load %arg7[%get3A_55, %get3A_56, %get3A_57] : memref<1x1x1024xf32, #tpu.memory_space<vmem>>, vector<1x1x1024xf32>
        %get3A_59 = vector.shape_cast %get3A_58 : vector<1x1x1024xf32> to vector<1x1024xf32>
        %add3A_60 = vector.broadcast %get3A_59 : vector<1x1024xf32> to vector<128x1024xf32>
        %add3A_61 = arith.addf %dot_general3A_48, %add3A_60 : vector<128x1024xf32>
        %swap3A = arith.index_cast %multiple_of3A : i32 to index
        %swap3A_62 = arith.constant 0 : index
        %swap3A_63 = vector.load %arg8[%swap3A, %swap3A_62] : memref<3072x1024xf32, #tpu.memory_space<vmem>>, vector<128x1024xf32>
        tpu.vector_store %arg8[%swap3A, %swap3A_62], %add3A_61 {strides = array<i32>} : memref<3072x1024xf32, #tpu.memory_space<vmem>>, vector<128x1024xf32>,
      } else {
      }
      %ne3A = arith.constant 0 : i32
      %ne3A_51 = arith.cmpi ne, %arg1, %ne3A : i32
      %convert_element_type3A_52 = arith.extui %ne3A_51 : i1 to i32
      %cond3A_53 = arith.constant 0 : i32
      %cond3A_54 = arith.cmpi ne, %convert_element_type3A_52, %cond3A_53 : i32
      scf.if %cond3A_54 {
        %get3A_55 = arith.index_cast %multiple_of3A : i32 to index
        %get3A_56 = arith.constant 0 : index
        %get3A_57 = vector.load %arg8[%get3A_55, %get3A_56] : memref<3072x1024xf32, #tpu.memory_space<vmem>>, vector<128x1024xf32>
        %add3A_58 = arith.addf %get3A_57, %dot_general3A_48 : vector<128x1024xf32>
        %swap3A = arith.index_cast %multiple_of3A : i32 to index
        %swap3A_59 = arith.constant 0 : index
        %swap3A_60 = vector.load %arg8[%swap3A, %swap3A_59] : memref<3072x1024xf32, #tpu.memory_space<vmem>>, vector<128x1024xf32>
        tpu.vector_store %arg8[%swap3A, %swap3A_59], %add3A_58 {strides = array<i32>} : memref<3072x1024xf32, #tpu.memory_space<vmem>>, vector<128x1024xf32>,
      } else {
      }
    }
    %while3A_12 = arith.constant 1 : i32
    scf.for %while3A_13 = %while3A_10 to %while3A_6 step %while3A_12  : i32 {
      %add3A_14 = arith.addi %get3A_0, %while3A_13 : i32
      %mul3A = arith.constant 128 : i32
      %mul3A_15 = arith.muli %add3A_14, %mul3A : i32
      %multiple_of3A = tpu.assume_multiple %mul3A_15, 128 : i32
      %get3A_16 = arith.index_cast %multiple_of3A : i32 to index
      %get3A_17 = arith.constant 0 : index
      %get3A_18 = vector.load %arg3[%get3A_16, %get3A_17] : memref<3072x1024xf32, #tpu.memory_space<vmem>>, vector<128x1024xf32>
      %get3A_19 = arith.constant 0 : index
      %get3A_20 = arith.constant 0 : index
      %get3A_21 = arith.constant 0 : index
      %get3A_22 = vector.load %arg4[%get3A_19, %get3A_20, %get3A_21] : memref<1x1024x512xf32, #tpu.memory_space<vmem>>, vector<1x1024x512xf32>
      %get3A_23 = vector.shape_cast %get3A_22 : vector<1x1024x512xf32> to vector<1024x512xf32>
      %dot_general3A = arith.constant dense<0.000000e+00> : vector<128x512xf32>
      %dot_general3A_24 = tpu.matmul %get3A_18, %get3A_23, %dot_general3A {dimension_numbers = #tpu.dot_dimension_numbers<[1], [0], [0], [1], [0, 0, 1, 1], [], []>, transpose_lhs_hint = false} : vector<128x1024xf32>, vector<1024x512xf32>, vector<128x512xf32> -> vector<128x512xf32>
      %get3A_25 = arith.constant 0 : index
      %get3A_26 = arith.constant 0 : index
      %get3A_27 = arith.constant 0 : index
      %get3A_28 = vector.load %arg5[%get3A_25, %get3A_26, %get3A_27] : memref<1x1x512xf32, #tpu.memory_space<vmem>>, vector<1x1x512xf32>
      %get3A_29 = vector.shape_cast %get3A_28 : vector<1x1x512xf32> to vector<1x512xf32>
      %add3A_30 = vector.broadcast %get3A_29 : vector<1x512xf32> to vector<128x512xf32>
      %add3A_31 = arith.addf %dot_general3A_24, %add3A_30 : vector<128x512xf32>
      %mul3A_32 = arith.constant 5.000000e-01 : f32
      %mul3A_33 = vector.broadcast %mul3A_32 : f32 to vector<128x512xf32>
      %mul3A_34 = arith.mulf %mul3A_33, %add3A_31 : vector<128x512xf32>
      %mul3A_35 = arith.constant 0.707106769 : f32
      %mul3A_36 = vector.broadcast %mul3A_35 : f32 to vector<128x512xf32>
      %mul3A_37 = arith.mulf %add3A_31, %mul3A_36 : vector<128x512xf32>
      %erf3A = math.erf %mul3A_37 : vector<128x512xf32>
      %add3A_38 = arith.constant 1.000000e+00 : f32
      %add3A_39 = vector.broadcast %add3A_38 : f32 to vector<128x512xf32>
      %add3A_40 = arith.addf %add3A_39, %erf3A : vector<128x512xf32>
      %mul3A_41 = arith.mulf %mul3A_34, %add3A_40 : vector<128x512xf32>
      %get3A_42 = arith.constant 0 : index
      %get3A_43 = arith.constant 0 : index
      %get3A_44 = arith.constant 0 : index
      %get3A_45 = vector.load %arg6[%get3A_42, %get3A_43, %get3A_44] : memref<1x512x1024xf32, #tpu.memory_space<vmem>>, vector<1x512x1024xf32>
      %get3A_46 = vector.shape_cast %get3A_45 : vector<1x512x1024xf32> to vector<512x1024xf32>
      %dot_general3A_47 = arith.constant dense<0.000000e+00> : vector<128x1024xf32>
      %dot_general3A_48 = tpu.matmul %mul3A_41, %get3A_46, %dot_general3A_47 {dimension_numbers = #tpu.dot_dimension_numbers<[1], [0], [0], [1], [0, 0, 1, 1], [], []>, transpose_lhs_hint = false} : vector<128x512xf32>, vector<512x1024xf32>, vector<128x1024xf32> -> vector<128x1024xf32>
      %eq3A = arith.constant 0 : i32
      %eq3A_49 = arith.cmpi eq, %arg1, %eq3A : i32
      %convert_element_type3A = arith.extui %eq3A_49 : i1 to i32
      %cond3A = arith.constant 0 : i32
      %cond3A_50 = arith.cmpi ne, %convert_element_type3A, %cond3A : i32
      scf.if %cond3A_50 {
        %get3A_55 = arith.constant 0 : index
        %get3A_56 = arith.constant 0 : index
        %get3A_57 = arith.constant 0 : index
        %get3A_58 = vector.load %arg7[%get3A_55, %get3A_56, %get3A_57] : memref<1x1x1024xf32, #tpu.memory_space<vmem>>, vector<1x1x1024xf32>
        %get3A_59 = vector.shape_cast %get3A_58 : vector<1x1x1024xf32> to vector<1x1024xf32>
        %add3A_60 = vector.broadcast %get3A_59 : vector<1x1024xf32> to vector<128x1024xf32>
        %add3A_61 = arith.addf %dot_general3A_48, %add3A_60 : vector<128x1024xf32>
        %swap3A = arith.index_cast %multiple_of3A : i32 to index
        %swap3A_62 = arith.constant 0 : index
        %swap3A_63 = vector.load %arg8[%swap3A, %swap3A_62] : memref<3072x1024xf32, #tpu.memory_space<vmem>>, vector<128x1024xf32>
        tpu.vector_store %arg8[%swap3A, %swap3A_62], %add3A_61 {strides = array<i32>} : memref<3072x1024xf32, #tpu.memory_space<vmem>>, vector<128x1024xf32>,
      } else {
      }
      %ne3A = arith.constant 0 : i32
      %ne3A_51 = arith.cmpi ne, %arg1, %ne3A : i32
      %convert_element_type3A_52 = arith.extui %ne3A_51 : i1 to i32
      %cond3A_53 = arith.constant 0 : i32
      %cond3A_54 = arith.cmpi ne, %convert_element_type3A_52, %cond3A_53 : i32
      scf.if %cond3A_54 {
        %get3A_55 = arith.index_cast %multiple_of3A : i32 to index
        %get3A_56 = arith.constant 0 : index
        %get3A_57 = vector.load %arg8[%get3A_55, %get3A_56] : memref<3072x1024xf32, #tpu.memory_space<vmem>>, vector<128x1024xf32>
        %add3A_58 = arith.addf %get3A_57, %dot_general3A_48 : vector<128x1024xf32>
        %swap3A = arith.index_cast %multiple_of3A : i32 to index
        %swap3A_59 = arith.constant 0 : index
        %swap3A_60 = vector.load %arg8[%swap3A, %swap3A_59] : memref<3072x1024xf32, #tpu.memory_space<vmem>>, vector<128x1024xf32>
        tpu.vector_store %arg8[%swap3A, %swap3A_59], %add3A_58 {strides = array<i32>} : memref<3072x1024xf32, #tpu.memory_space<vmem>>, vector<128x1024xf32>,
      } else {
      }
    }
    return
  }
  func.func @transform_0(%arg0: i32, %arg1: i32, %arg2: memref<9xi32, #tpu.memory_space<smem>>) -> (i32, i32) {
    %c0_i32 = arith.constant 0 : i32
    %c0_i32_0 = arith.constant 0 : i32
    %c0_i32_1 = arith.constant 0 : i32
    return %c0_i32, %c0_i32_0 : i32, i32
  }
  func.func @transform_1(%arg0: i32, %arg1: i32, %arg2: memref<9xi32, #tpu.memory_space<smem>>) -> (i32, i32, i32) {
    %c0_i32 = arith.constant 0 : i32
    %c0_i32_0 = arith.constant 0 : i32
    return %arg0, %c0_i32, %arg1 : i32, i32, i32
  }
  func.func @transform_2(%arg0: i32, %arg1: i32, %arg2: memref<9xi32, #tpu.memory_space<smem>>) -> (i32, i32, i32) {
    %c0_i32 = arith.constant 0 : i32
    %c0_i32_0 = arith.constant 0 : i32
    return %arg0, %c0_i32, %arg1 : i32, i32, i32
  }
  func.func @transform_3(%arg0: i32, %arg1: i32, %arg2: memref<9xi32, #tpu.memory_space<smem>>) -> (i32, i32, i32) {
    %c0_i32 = arith.constant 0 : i32
    %c0_i32_0 = arith.constant 0 : i32
    return %arg0, %arg1, %c0_i32 : i32, i32, i32
  }
  func.func @transform_4(%arg0: i32, %arg1: i32, %arg2: memref<9xi32, #tpu.memory_space<smem>>) -> (i32, i32, i32) {
    %c0_i32 = arith.constant 0 : i32
    %c0_i32_0 = arith.constant 0 : i32
    %c0_i32_1 = arith.constant 0 : i32
    return %arg0, %c0_i32, %c0_i32_0 : i32, i32, i32
  }
  func.func @transform_5(%arg0: i32, %arg1: i32, %arg2: memref<9xi32, #tpu.memory_space<smem>>) -> (i32, i32) {
    %c0_i32 = arith.constant 0 : i32
    %c0_i32_0 = arith.constant 0 : i32
    %c0_i32_1 = arith.constant 0 : i32
    return %c0_i32, %c0_i32_0 : i32, i32
  }
}

</mosaic_0001>

<sc_bundles>
// kernel: kernel.6.cloned.1.call-start
scs
__scs_entry_jumppad:
0x0: {  	(pc) =	sbr.rel $0x88, $3  }
0x1: {  	(tag) =	ssettag $0x0;
	lr =	simm.s32 $0x1  }
0x2: {  	[smem:$0x3F9A] =	sst lr;
	_ =	strace $0xD0000000  }
0x3: {  	_ = 	snop  }
0x4: {  	_ = 	snop  }
0x5: {  	_ = 	snop  }
0x6: {  	_ = 	snop  }
0x7: {  	_ = 	snop  }
__scs_overlays_trampoline_lowered:
0x8: {  	[smem:$0x3FA9] =	sst s0  }
0x9: {  	[smem:$0x3FAA] =	sst s1  }
0xa: {  	[smem:$0x3FAB] =	sst s2  }
0xb: {  	[smem:$0x3FAC] =	sst s3  }
0xc: {  	[smem:$0x3FAD] =	sst s4  }
0xd: {  	[smem:$0x3FAE] =	sst s5  }
0xe: {  	[smem:$0x3FAF] =	sst s6  }
0xf: {  	[smem:$0x3FB0] =	sst s7  }
0x10: {  	[smem:$0x3FB1] =	sst s8  }
0x11: {  	[smem:$0x3FB2] =	sst s9;
	s0 =	simm.s32 @!p0 $0x0  }
0x12: {  	s1 =	sld [smem:$0x3F98];
	s0 =	simm.s32 @p0 $0x1  }
0x13: {  	[smem:$0x3FB3] =	sst s0;
	s0 =	simm.s32 @!p1 $0x0  }
0x14: {  	s2 =	sld [smem:$0x3F97];
	s0 =	simm.s32 @p1 $0x1  }
0x15: {  	[smem:$0x3FB4] =	sst s0;
	s0 =	simm.s32 @!p2 $0x0  }
0x16: {  	s3 =	sld [smem:$0x3FDB];
	s0 =	simm.s32 @p2 $0x1  }
0x17: {  	s4 =	simm.s32 $0x1BF5;
	[smem:$0x3FB6] =	sst s0  }
0x18: {  	s0 =	sld [smem:$0x3F99];
	_ =	swait.ge [sflag:s4], $0x0  }
0x19: {  	s7 =	sld [smem:$0x3F9A]  }
0x1a: {  	s8 =	sadd.s32 $0xFFFFE003, lr  }
0x1b: {  	s9 =	sadd.s32 $0xFFFFFEF7, lr;
	s5 =	simm.s32 $0xFFFFFFFF;
	p2 =	slt.u32 s8, $0xFFFFF086  }
0x1c: {  	p1 =	slt.u32 s9, $0xF7A;
	s5 =	simm.s32 @!p2 $0x0  }
0x1d: {  	s5 =	simm.s32 @p1 $0x1;
	p0 =	seq.s32 s7, s2  }
0x1e: {  	s7 =	smul.u32 @!p0 $0xF7A, s2;
	p2 =	seq.s32 @!p0 s5, $0x0  }
0x1f: {  	s9 =	smul.u32 $0xF7A, s1;
	s8 =	simm.s32 @!p0 $0x1BF5;
	p2 =	por !p2, p0  }
0x20: {  	[sflag:s8] =	ssyncset.s32 @!p0 $0xFFFFF086;
	s6 =	sadd.s32 @!p0 s3, s7;
	s7 =	simm.s32 @!p0 $0x108  }
0x21: {  	s3 =	sadd.s32 s3, s9;
	s6 =	sadd.s32 @!p0 $0x88, s6;
	s7 =	simm.s32 @p2 $0x1082  }
0x22: {  	[simem:s7], [sflag:s8] =	dma.local @!p0 [hbm:s6], $0xF7A  }
0x23: {  	s9 =	sor.u32 $0xD0000000, s2;
	s6 =	simm.s32 $0x108;
	_ =	swait.ge @!p0 [sflag:s8], $0x0  }
0x24: {  	s3 =	sadd.s32 $0x88, s3;
	s6 =	simm.s32 @!p1 $0x1082;
	[sflag:s4] =	ssyncset.s32 $0xFFFFF086  }
0x25: {  	[simem:s6], [sflag:s4] =	dma.local [hbm:s3], $0xF7A  }
0x26: {  	[smem:$0x3F9A] =	sst s1;
	(tag) =	ssettag s2;
	_ =	strace s9  }
0x27: {  	s1 =	sld [smem:$0x3FAA]  }
0x28: {  	s2 =	sld [smem:$0x3FAB]  }
0x29: {  	s4 =	sld [smem:$0x3FAD]  }
0x2a: {  	p0 =	seq.s32 s5, $0x0;
	s5 =	sld [smem:$0x3FAE]  }
0x2b: {  	s6 =	sld [smem:$0x3FAF]  }
0x2c: {  	s7 =	sld [smem:$0x3FB0]  }
0x2d: {  	s3 =	simm.s32 $0x108;
	s8 =	sld [smem:$0x3FB1]  }
0x2e: {  	s3 =	simm.s32 @!p0 $0x1082;
	s9 =	sld [smem:$0x3FB2]  }
0x2f: {  	lr =	sadd.s32 s0, s3;
	s0 =	sld [smem:$0x3FA9]  }
0x30: {  	s3 =	sld [smem:$0x3FAC]  }
0x31: {  	[smem:$0x3FB5] =	sst s10  }
0x32: {  	s10 =	sld [smem:$0x3FB3];
	_ =	sdelay $0x3  }
0x33: {  	p0 =	seq.s32 s10, $0x1;
	s10 =	sld [smem:$0x3FB5];
	_ =	sdelay $0x3  }
0x34: {  	[smem:$0x3FB5] =	sst s10  }
0x35: {  	s10 =	sld [smem:$0x3FB4];
	_ =	sdelay $0x3  }
0x36: {  	p1 =	seq.s32 s10, $0x1;
	s10 =	sld [smem:$0x3FB5];
	_ =	sdelay $0x3  }
0x37: {  	[smem:$0x3FB5] =	sst s10  }
0x38: {  	s10 =	sld [smem:$0x3FB6]  }
0x39: {  	_ = 	snop;
	(pc) =	sbr.ind lr, $3  }
0x3a: {  	_ = 	snop  }
0x3b: {  	_ = 	snop  }
0x3c: {  	p2 =	seq.s32 s10, $0x1;
	s10 =	sld [smem:$0x3FB5]  }
0x3d: {  	_ =	shalt  }
0x3e: {  	_ =	shalt  }
0x3f: {  	_ =	shalt  }
0x40: {  	_ =	shalt  }
0x41: {  	_ =	shalt  }
0x42: {  	_ =	shalt  }
0x43: {  	_ =	shalt  }
0x44: {  	_ =	shalt  }
0x45: {  	_ =	shalt  }
0x46: {  	_ =	shalt  }
0x47: {  	_ =	shalt  }
0x48: {  	_ =	shalt  }
0x49: {  	_ =	shalt  }
0x4a: {  	_ =	shalt  }
0x4b: {  	_ =	shalt  }
0x4c: {  	_ =	shalt  }
0x4d: {  	_ =	shalt  }
0x4e: {  	_ =	shalt  }
0x4f: {  	_ =	shalt  }
0x50: {  	_ =	shalt  }
0x51: {  	_ =	shalt  }
0x52: {  	_ =	shalt  }
0x53: {  	_ =	shalt  }
0x54: {  	_ =	shalt  }
0x55: {  	_ =	shalt  }
0x56: {  	_ =	shalt  }
0x57: {  	_ =	shalt  }
0x58: {  	_ =	shalt  }
0x59: {  	_ =	shalt  }
0x5a: {  	_ =	shalt  }
0x5b: {  	_ =	shalt  }
0x5c: {  	_ =	shalt  }
0x5d: {  	_ =	shalt  }
0x5e: {  	_ =	shalt  }
0x5f: {  	_ =	shalt  }
0x60: {  	_ =	shalt  }
0x61: {  	_ =	shalt  }
0x62: {  	_ =	shalt  }
0x63: {  	_ =	shalt  }
0x64: {  	_ =	shalt  }
0x65: {  	_ =	shalt  }
0x66: {  	_ =	shalt  }
0x67: {  	_ =	shalt  }
0x68: {  	_ =	shalt  }
0x69: {  	_ =	shalt  }
0x6a: {  	_ =	shalt  }
0x6b: {  	_ =	shalt  }
0x6c: {  	_ =	shalt  }
0x6d: {  	_ =	shalt  }
0x6e: {  	_ =	shalt  }
0x6f: {  	_ =	shalt  }
0x70: {  	_ =	shalt  }
0x71: {  	_ =	shalt  }
0x72: {  	_ =	shalt  }
0x73: {  	_ =	shalt  }
0x74: {  	_ =	shalt  }
0x75: {  	_ =	shalt  }
0x76: {  	_ =	shalt  }
0x77: {  	_ =	shalt  }
0x78: {  	_ =	shalt  }
0x79: {  	_ =	shalt  }
0x7a: {  	_ =	shalt  }
0x7b: {  	_ =	shalt  }
0x7c: {  	_ =	shalt  }
0x7d: {  	_ =	shalt  }
0x7e: {  	_ =	shalt  }
0x7f: {  	_ =	shalt  }
0x80: {  	_ =	shalt  }
0x81: {  	_ =	shalt  }
0x82: {  	_ =	shalt  }
0x83: {  	_ =	shalt  }
0x84: {  	_ =	shalt  }
0x85: {  	_ =	shalt  }
0x86: {  	_ =	shalt  }
0x87: {  	_ =	shalt  }
.Lfunc_end0:
.L_simem_size_0:
called_computation_lowered:
.L_overlay_start_0:
0x88: {  	s2 =	sld [smem:$0x3FD9]  }
0x89: {  	s3 =	sld [smem:$0x3FFE];
	_ =	sdelay $0x1  }
0x8a: {  	s1 =	srdreg.scid  }
0x8b: {  	s0 =	sand.u32 $0x1, s1  }
0x8c: {  	s17 =	sshll.u32 s0, $0xA;
	s2 =	sadd.s32 s3, s2  }
0x8d: {  	s2 =	sadd.s32 s2, s17  }
0x8e: {  	[smem:$0x3FC1] =	sst s2  }
0x8f: {  	_ = 	snop  }
0x90: {  	s2 =	sld [smem:$0x3FC9];
	(tm) =	ssettm $0x1  }
0x91: {  	s18 =	sld [smem:$0x3FFB];
	_ =	sdelay $0x3  }
0x92: {  	_ =	strace s18  }
0x93: {  	s3 =	sld [smem:$0x3FFC];
	_ =	sdelay $0x3  }
0x94: {  	_ =	strace s3  }
0x95: {  	s3 =	sld [smem:$0x3FFD];
	_ =	sdelay $0x3  }
0x96: {  	_ =	strace s3  }
0x97: {  	_ =	strace $0x8FFFFFFF  }
0x98: {  	s19 =	sld [smem:$0x3FDB];
	_ =	sdelay $0x1  }
0x99: {  	s4 =	simm.s32 $_scs_section_size  }
0x9a: {  	s5 =	simm.s32 $_size__tile_overlayer_lowered;
	s6 =	simm.s32 $_tile_overlayer_lowered  }
0x9b: {  	s22 =	simm.s32 $0x1BFF;
	s21 =	sshll.u32 s6, $0x1;
	s3 =	sadd.s32 s4, s19  }
0x9c: {  	s7 =	simm.s32 $0x0;
	s20 =	sshll.u32 s5, $0x1;
	s5 =	sadd.s32 s21, s3  }
0x9d: {  	[timem:s7], [sflag:s22] =	dma.local [hbm:s5], s20  }
0x9e: {  	_ =	swait.ge [sflag:s22], s20  }
0x9f: {  	s4 =	ssub.s32 $0x0, s20;
	[sflag:s22] =	ssyncset.done $0x0  }
0xa0: {  	[sflag:s22] =	ssyncadd.s32 s4;
	_ =	sdelay $0x1  }
0xa1: {  	s23 =	simm.s32 $0x1B8B  }
0xa2: {  	_ =	swait.ge [sflag:s23], $0x1  }
0xa3: {  	[sflag:s23] =	ssyncset.done $0x0  }
0xa4: {  	s25 =	simm.s32 $0x1B8E;
	s24 =	sld [smem:$0x3FFE];
	[sflag:s23] =	ssyncadd.s32 $0xFFFFFFFF  }
0xa5: {  	s26 =	simm.s32 $execute0_lowered;
	[smem:$0x3FD2] =	sst s25  }
0xa6: {  	s5 =	sshll.u32 s26, $0x1;
	_ =	strace $0x80000046;
	[dreg:$0x1] =	wrdreg $0xFFFFFFFF  }
0xa7: {  	s28 =	simm.s32 $_size_execute0_lowered;
	s3 =	sadd.s32 s3, s5;
	[dreg:$0x0] =	wrdreg $0x0  }
0xa8: {  	s5 =	sshll.u32 s28, $0x1;
	[dreg:$0x2] =	wrdreg s3  }
0xa9: {  	[dreg:$0x3] =	wrdreg s5  }
0xaa: {  	[dreg:$0x4] =	wrdreg $0xC0  }
0xab: {  	_ =	task [dreg:s7], $0x5FFFF  }
0xac: {  	[dreg:$0x1] =	wrdreg $0xFFFFFFFF  }
0xad: {  	[dreg:$0x0] =	wrdreg $0x60  }
0xae: {  	[dreg:$0x2] =	wrdreg s2  }
0xaf: {  	[dreg:$0x3] =	wrdreg s24  }
0xb0: {  	[dreg:$0x4] =	wrdreg $0x9  }
0xb1: {  	_ =	task.clear_ibuf [dreg:s7], $0x5FFFF;
	_ =	strace $0x90000046  }
0xb2: {  	s29 =	simm.s32 $0x9;
	_ =	strace $0x80000048  }
0xb3: {  	_ =	swait.ge [sflag:s29], $0x1  }
0xb4: {  	[sflag:s29] =	ssyncadd.s32 $0xFFFFFFFF  }
0xb5: {  	_ =	strace $0x90000048  }
0xb6: {  	_ =	sfence  }
0xb7: {  	s30 =	sld [smem:$0x0];
	_ =	sdelay $0x2  }
0xb8: {  	s31 =	sshll.u32 s1, $0xD;
	s1 =	sshrl.u32 s1, $0x2  }
0xb9: {  	s3 =	sand.u32 $0x4000, s31;
	s1 =	sadd.s32 s1, s30  }
0xba: {  	s0 =	sor.u32 s3, s0;
	s1 =	sshll.u32 s1, $0x11  }
0xbb: {  	s0 =	sor.u32 s1, s0  }
0xbc: {  	s0 =	sadd.s32 $0x8F2B, s0  }
0xbd: {  	[sflag:s0] =	ssyncadd.remote.s32 $0x1  }
0xbe: {  	_ =	sfence.sel $0xFFFF  }
0xbf: {  	[dreg:$0x0] =	wrdreg $0xFFFFFFFF;
	(pc) =	sbr.abs _section_cstart, $3  }
0xc0: {  	[dreg:$0x1] =	wrdreg $0xFFFFFFFF  }
0xc1: {  	_ =	task.clear_ibuf [dreg:s7], $0x2FFFF;
	_ =	strace $0x9FFFFFFF  }
0xc2: {  	(tm) =	ssettm $0x7FFFFFFF  }
0xc3: {  	_ =	shalt  }
tec
execute0_lowered:
.L_overlay_start_1:
0x0: {  	(tag) =	ssettag $0x1  }
0x1: {  	s1 =	srdreg.scid  }
0x2: {  	s0 =	stileid.u32;
	s3 =	rddreg [dreg:$0x0]  }
0x3: {  	s6 =	rddreg [dreg:$0x1];
	s18 =	simm.s32 $0x880;
	s19 =	simm.s32 $0x1080  }
0x4: {  	s20 =	simm.s32 $0x1880;
	s22 =	simm.s32 $0x2080;
	s23 =	simm.s32 $0x2880  }
0x5: {  	s7 =	simm.s32 $0x3080;
	s24 =	simm.s32 $0x3880;
	s8 =	simm.s32 $0x4080  }
0x6: {  	s25 =	simm.s32 $0x4880;
	s26 =	simm.s32 $0x5080;
	s1 =	sand.u32 $0x1, s1  }
0x7: {  	s9 =	simm.s32 $0x80;
	s2 =	sshll.u32 s0, $0x7;
	s4 =	sshll.u32 s1, $0x6  }
0x8: {  	s11 =	simm.s32 $0x6080;
	s4 =	sor.u32 s4, s2;
	s2 =	simm.s32 $0x0  }
0x9: {  	s12 =	simm.s32 $0x6880;
	s13 =	simm.s32 $0x7080;
	[smem:$0x7FF] =	sst s2  }
0xa: {  	s14 =	simm.s32 $0x7880;
	_ =	strace $0x80000047;
	[dreg:$0x5] =	wrdreg s18  }
0xb: {  	s15 =	simm.s32 $0x8080;
	s16 =	simm.s32 $0x8880;
	[dreg:$0x6] =	wrdreg s19  }
0xc: {  	s17 =	simm.s32 $0x9080;
	s28 =	simm.s32 $0xE080;
	[dreg:$0x7] =	wrdreg s20  }
0xd: {  	s29 =	simm.s32 $0xE880;
	s30 =	simm.s32 $0xF080;
	[dreg:$0x8] =	wrdreg s22  }
0xe: {  	s31 =	simm.s32 $0xF880;
	s1 =	ssub.s32 $0x2, s1;
	[dreg:$0x9] =	wrdreg s23  }
0xf: {  	s21 =	sshrl.u32 s1, $0x1;
	s5 =	sshrl.u32 s4, $0x3;
	[dreg:$0xa] =	wrdreg s7  }
0x10: {  	s4 =	sshll.u32 s4, $0x7;
	s1 =	ssub.s32 s1, s21;
	[dreg:$0xb] =	wrdreg s24  }
0x11: {  	s21 =	simm.s32 $0xB080;
	s5 =	sadd.s32 s5, s6;
	[dreg:$0xc] =	wrdreg s8  }
0x12: {  	s3 =	sadd.s32 s3, s4;
	s4 =	sadd.s32 $0xB00, s6;
	[dreg:$0xd] =	wrdreg s25  }
0x13: {  	s7 =	smax.u32 s1, $0x1;
	s8 =	simm.s32 $0x2;
	[dreg:$0xe] =	wrdreg s26  }
0x14: {  	s18 =	simm.s32 $0x9880;
	s19 =	simm.s32 $0xA080;
	s20 =	simm.s32 $0xA880  }
0x15: {  	s22 =	simm.s32 $0xB880;
	s23 =	simm.s32 $0xC080;
	s24 =	simm.s32 $0xC880  }
0x16: {  	v2 =	vlaneseq.u32;
	s25 =	simm.s32 $0xD080;
	s26 =	simm.s32 $0xD880;
	s1 =	simm.s32 $0x1  }
0x17: {  	vm0 =	vmmov $0xffff;
	v1 =	vshrl.u32 v2, $0x3;
	s5 =	sadd.s32 $0x800, s5;
	[dreg:$0x4] =	wrdreg s3;
	s3 =	sadd.s32 $0xA00, s6  }
0x18: {  	v0 =	vand.u32 $0x7, v2;
	v2 =	vor.u32 $0x8, v2;
	v1 =	vmul.u32 $0x8, v1;
	[dreg:$0x3] =	wrdreg s5;
	s5 =	sadd.s32 $0xC00, s6;
	s6 =	sadd.s32 $0xD00, s6  }
.LBB2_1:
0x19: {  	s0 =	rddreg [dreg:$0x3]  }
0x1a: {  	[tilespmem:s2], [sflag:$0x2] =	stream.linear.gather [hbm4b:s0+s2], $0x40, $0x38;
	[tilespmem:$0x10080] =	vst v63  }
0x1b: {  	_ =	swait.ge [sflag:s8], $0x40  }
0x1c: {  	[sflag:s8] =	ssyncset.done $0x0  }
0x1d: {  	s10 =	rddreg [dreg:$0x4];
	[sflag:s8] =	ssyncadd.s32 $0xFFFFFFC0  }
0x1e: {  	[tilespmem:s9], [sflag:$0x2] =	stream.linear.gather [hbm4b:s10+s2], $0x10000, $0x38;
	[tilespmem:$0x10080] =	vst v63  }
0x1f: {  	_ =	swait.ge [sflag:s8], $0x10000  }
0x20: {  	[sflag:s8] =	ssyncset.done $0x0  }
0x21: {  	[sflag:s8] =	ssyncadd.s32 $0xFFFF0000  }
0x22: {  	v3 =	vld [tilespmem:$0x0];
	_ =	sdelay $0x4  }
0x23: {  	v4 =	vshll.u32 v3, $0x3  }
0x24: {  	v3 =	vand.u32 $0x7, v3;
	v4 =	vand.u32 $0xFFFFFFC0, v4  }
0x25: {  	v3 =	vor.u32 v3, v4  }
0x26: {  	v4 =	vperm.xlane v3, v0;
	_ =	sdelay $0x1  }
0x27: {  	v4 =	vadd.s32 v1, v4;
	_ =	sdelay $0x4  }
0x28: {  	[hbm4b:s3+s2] =	stream.indirect_vreg.scatter [tilespmem:s9], [sflag:$0x1], $0x80, v4, vm0, $0xb8;
	[tilespmem:$0x10080] =	vst v63  }
0x29: {  	s0 =	rddreg [dreg:$0x5];
	v3 =	vperm.xlane v3, v2  }
0x2a: {  	[hbm4b:s4+s2] =	stream.indirect_vreg.scatter [tilespmem:s0], [sflag:$0x1], $0x80, v4, vm0, $0xb8;
	[tilespmem:$0x10080] =	vst v63  }
0x2b: {  	s10 =	rddreg [dreg:$0x6];
	v3 =	vadd.s32 v1, v3  }
0x2c: {  	[hbm4b:s5+s2] =	stream.indirect_vreg.scatter [tilespmem:s10], [sflag:$0x1], $0x80, v4, vm0, $0xb8;
	[tilespmem:$0x10080] =	vst v63  }
0x2d: {  	s0 =	rddreg [dreg:$0x7]  }
0x2e: {  	[hbm4b:s6+s2] =	stream.indirect_vreg.scatter [tilespmem:s0], [sflag:$0x1], $0x80, v4, vm0, $0xb8;
	[tilespmem:$0x10080] =	vst v63  }
0x2f: {  	s10 =	rddreg [dreg:$0x8]  }
0x30: {  	[hbm4b:s3+s2] =	stream.indirect_vreg.scatter [tilespmem:s10], [sflag:$0x1], $0x80, v3, vm0, $0xb8;
	[tilespmem:$0x10080] =	vst v63  }
0x31: {  	s0 =	rddreg [dreg:$0x9]  }
0x32: {  	[hbm4b:s4+s2] =	stream.indirect_vreg.scatter [tilespmem:s0], [sflag:$0x1], $0x80, v3, vm0, $0xb8;
	[tilespmem:$0x10080] =	vst v63  }
0x33: {  	s10 =	rddreg [dreg:$0xa]  }
0x34: {  	[hbm4b:s5+s2] =	stream.indirect_vreg.scatter [tilespmem:s10], [sflag:$0x1], $0x80, v3, vm0, $0xb8;
	[tilespmem:$0x10080] =	vst v63  }
0x35: {  	s0 =	rddreg [dreg:$0xb]  }
0x36: {  	[hbm4b:s6+s2] =	stream.indirect_vreg.scatter [tilespmem:s0], [sflag:$0x1], $0x80, v3, vm0, $0xb8;
	[tilespmem:$0x10080] =	vst v63  }
0x37: {  	v3 =	vld [tilespmem:$0x10];
	_ =	sdelay $0x4  }
0x38: {  	v61 =	vshll.u32 v3, $0x3  }
0x39: {  	v3 =	vand.u32 $0x7, v3;
	v4 =	vand.u32 $0xFFFFFFC0, v61  }
0x3a: {  	v3 =	vor.u32 v3, v4  }
0x3b: {  	v4 =	vperm.xlane v3, v0;
	_ =	sdelay $0x1  }
0x3c: {  	v4 =	vadd.s32 v1, v4;
	_ =	sdelay $0x3  }
0x3d: {  	s0 =	rddreg [dreg:$0xc]  }
0x3e: {  	[hbm4b:s3+s2] =	stream.indirect_vreg.scatter [tilespmem:s0], [sflag:$0x1], $0x80, v4, vm0, $0xb8;
	[tilespmem:$0x10080] =	vst v63  }
0x3f: {  	s10 =	rddreg [dreg:$0xd];
	v3 =	vperm.xlane v3, v2  }
0x40: {  	[hbm4b:s4+s2] =	stream.indirect_vreg.scatter [tilespmem:s10], [sflag:$0x1], $0x80, v4, vm0, $0xb8;
	[tilespmem:$0x10080] =	vst v63  }
0x41: {  	v3 =	vadd.s32 v1, v3;
	s0 =	rddreg [dreg:$0xe]  }
0x42: {  	[hbm4b:s5+s2] =	stream.indirect_vreg.scatter [tilespmem:s0], [sflag:$0x1], $0x80, v4, vm0, $0xb8;
	[tilespmem:$0x10080] =	vst v63  }
0x43: {  	s10 =	simm.s32 $0x5880  }
0x44: {  	[hbm4b:s6+s2] =	stream.indirect_vreg.scatter [tilespmem:s10], [sflag:$0x1], $0x80, v4, vm0, $0xb8;
	[tilespmem:$0x10080] =	vst v63  }
0x45: {  	_ = 	snop  }
0x46: {  	[hbm4b:s3+s2] =	stream.indirect_vreg.scatter [tilespmem:s11], [sflag:$0x1], $0x80, v3, vm0, $0xb8;
	[tilespmem:$0x10080] =	vst v63  }
0x47: {  	_ = 	snop  }
0x48: {  	[hbm4b:s4+s2] =	stream.indirect_vreg.scatter [tilespmem:s12], [sflag:$0x1], $0x80, v3, vm0, $0xb8;
	[tilespmem:$0x10080] =	vst v63  }
0x49: {  	_ = 	snop  }
0x4a: {  	[hbm4b:s5+s2] =	stream.indirect_vreg.scatter [tilespmem:s13], [sflag:$0x1], $0x80, v3, vm0, $0xb8;
	[tilespmem:$0x10080] =	vst v63  }
0x4b: {  	_ = 	snop  }
0x4c: {  	[hbm4b:s6+s2] =	stream.indirect_vreg.scatter [tilespmem:s14], [sflag:$0x1], $0x80, v3, vm0, $0xb8;
	[tilespmem:$0x10080] =	vst v63  }
0x4d: {  	v3 =	vld [tilespmem:$0x20];
	_ =	sdelay $0x4  }
0x4e: {  	v62 =	vshll.u32 v3, $0x3  }
0x4f: {  	v3 =	vand.u32 $0x7, v3;
	v4 =	vand.u32 $0xFFFFFFC0, v62  }
0x50: {  	v3 =	vor.u32 v3, v4  }
0x51: {  	v4 =	vperm.xlane v3, v0;
	_ =	sdelay $0x1  }
0x52: {  	v4 =	vadd.s32 v1, v4;
	_ =	sdelay $0x4  }
0x53: {  	[hbm4b:s3+s2] =	stream.indirect_vreg.scatter [tilespmem:s15], [sflag:$0x1], $0x80, v4, vm0, $0xb8;
	[tilespmem:$0x10080] =	vst v63  }
0x54: {  	v3 =	vperm.xlane v3, v2  }
0x55: {  	[hbm4b:s4+s2] =	stream.indirect_vreg.scatter [tilespmem:s16], [sflag:$0x1], $0x80, v4, vm0, $0xb8;
	[tilespmem:$0x10080] =	vst v63  }
0x56: {  	v3 =	vadd.s32 v1, v3  }
0x57: {  	[hbm4b:s5+s2] =	stream.indirect_vreg.scatter [tilespmem:s17], [sflag:$0x1], $0x80, v4, vm0, $0xb8;
	[tilespmem:$0x10080] =	vst v63  }
0x58: {  	_ = 	snop  }
0x59: {  	[hbm4b:s6+s2] =	stream.indirect_vreg.scatter [tilespmem:s18], [sflag:$0x1], $0x80, v4, vm0, $0xb8;
	[tilespmem:$0x10080] =	vst v63  }
0x5a: {  	_ = 	snop  }
0x5b: {  	[hbm4b:s3+s2] =	stream.indirect_vreg.scatter [tilespmem:s19], [sflag:$0x1], $0x80, v3, vm0, $0xb8;
	[tilespmem:$0x10080] =	vst v63  }
0x5c: {  	_ = 	snop  }
0x5d: {  	[hbm4b:s4+s2] =	stream.indirect_vreg.scatter [tilespmem:s20], [sflag:$0x1], $0x80, v3, vm0, $0xb8;
	[tilespmem:$0x10080] =	vst v63  }
0x5e: {  	_ = 	snop  }
0x5f: {  	[hbm4b:s5+s2] =	stream.indirect_vreg.scatter [tilespmem:s21], [sflag:$0x1], $0x80, v3, vm0, $0xb8;
	[tilespmem:$0x10080] =	vst v63  }
0x60: {  	_ = 	snop  }
0x61: {  	[hbm4b:s6+s2] =	stream.indirect_vreg.scatter [tilespmem:s22], [sflag:$0x1], $0x80, v3, vm0, $0xb8;
	[tilespmem:$0x10080] =	vst v63  }
0x62: {  	v3 =	vld [tilespmem:$0x30];
	_ =	sdelay $0x4  }
0x63: {  	v63 =	vshll.u32 v3, $0x3  }
0x64: {  	v3 =	vand.u32 $0x7, v3;
	v4 =	vand.u32 $0xFFFFFFC0, v63  }
0x65: {  	v3 =	vor.u32 v3, v4  }
0x66: {  	v4 =	vperm.xlane v3, v0;
	_ =	sdelay $0x1  }
0x67: {  	v4 =	vadd.s32 v1, v4;
	_ =	sdelay $0x4  }
0x68: {  	[hbm4b:s3+s2] =	stream.indirect_vreg.scatter [tilespmem:s23], [sflag:$0x1], $0x80, v4, vm0, $0xb8;
	[tilespmem:$0x10080] =	vst v63  }
0x69: {  	v3 =	vperm.xlane v3, v2  }
0x6a: {  	[hbm4b:s4+s2] =	stream.indirect_vreg.scatter [tilespmem:s24], [sflag:$0x1], $0x80, v4, vm0, $0xb8;
	[tilespmem:$0x10080] =	vst v63  }
0x6b: {  	v3 =	vadd.s32 v1, v3  }
0x6c: {  	[hbm4b:s5+s2] =	stream.indirect_vreg.scatter [tilespmem:s25], [sflag:$0x1], $0x80, v4, vm0, $0xb8;
	[tilespmem:$0x10080] =	vst v63  }
0x6d: {  	_ = 	snop  }
0x6e: {  	[hbm4b:s6+s2] =	stream.indirect_vreg.scatter [tilespmem:s26], [sflag:$0x1], $0x80, v4, vm0, $0xb8;
	[tilespmem:$0x10080] =	vst v63  }
0x6f: {  	_ = 	snop  }
0x70: {  	[hbm4b:s3+s2] =	stream.indirect_vreg.scatter [tilespmem:s28], [sflag:$0x1], $0x80, v3, vm0, $0xb8;
	[tilespmem:$0x10080] =	vst v63  }
0x71: {  	_ = 	snop  }
0x72: {  	[hbm4b:s4+s2] =	stream.indirect_vreg.scatter [tilespmem:s29], [sflag:$0x1], $0x80, v3, vm0, $0xb8;
	[tilespmem:$0x10080] =	vst v63  }
0x73: {  	p0 =	sne.s32 s7, $0x1  }
0x74: {  	[hbm4b:s5+s2] =	stream.indirect_vreg.scatter [tilespmem:s30], [sflag:$0x1], $0x80, v3, vm0, $0xb8;
	[tilespmem:$0x10080] =	vst v63  }
.Ltmp0:
0x75: {  	_ = 	snop;
	(pc) =	sbr.rel @p0 .LBB2_1-.Ltmp0, $4  }
0x76: {  	[hbm4b:s6+s2] =	stream.indirect_vreg.scatter [tilespmem:s31], [sflag:$0x1], $0x80, v3, vm0, $0xb8;
	[tilespmem:$0x10080] =	vst v63  }
0x77: {  	_ =	swait.ge [sflag:s1], $0x10000  }
0x78: {  	[sflag:s1] =	ssyncset.done $0x0  }
0x79: {  	s7 =	sadd.s32 $0xFFFFFFFF, s7;
	[sflag:s1] =	ssyncadd.s32 $0xFFFF0000  }
0x7a: {  	_ =	sfence.sel $0x180000  }
0x7b: {  	[bflag:$0x0] =	sbarrier.arrive $0xFFFF  }
0x7c: {  	_ =	strace $0x90000047  }
0x7d: {  	s0 =	stileid.u32;
	[bflag:$0x2] =	sbarrier.arrive $0xFFFF  }
0x7e: {  	p0 =	sne.s32 s0, $0x0;
	s0 =	rddreg [dreg:$0x2]  }
0x7f: {  	s0 =	sadd.s32 @!p0 $0x100000, s0  }
0x80: {  	[sflag:s0] =	ssyncadd.tile.s32 @!p0 $0x1;
	_ =	shalt  }
.Lfunc_end2:
_tile_overlayer_lowered:
.L_overlay_start_2:
0x81: {  	(tag) =	ssettag $0x2  }
0x82: {  	s0 =	rddreg [dreg:$0x0];
	s2 =	stileid.u32  }
0x83: {  	s1 =	rddreg [dreg:$0x1];
	p0 =	sne.s32 s2, $0x0  }
0x84: {  	s3 =	rddreg [dreg:$0x2];
	[bflag:$0x3] =	sbarrier.arrive $0xFFFF;
	s2 =	simm.s32 @!p0 $0x1C02  }
0x85: {  	[timem:s3], [sflag:s2] =	dma.local @!p0 [hbm:s0], s1  }
0x86: {  	s0 =	simm.s32 @!p0 $0x2  }
0x87: {  	_ =	swait.ge @!p0 [sflag:s0], s1  }
0x88: {  	s1 =	ssub.s32 @!p0 $0x0, s1;
	[sflag:s0] =	ssyncset.done @!p0 $0x0  }
0x89: {  	[sflag:s0] =	ssyncadd.s32 @!p0 s1  }
0x8a: {  	[bflag:$0x3] =	sbarrier.arrive $0xFFFF  }
0x8b: {  	_ =	shalt  }

// kernel: kernel.9.cloned.1.call-start
scs
__scs_entry_jumppad:
0x0: {  	(pc) =	sbr.rel $0x88, $3  }
0x1: {  	(tag) =	ssettag $0x0;
	lr =	simm.s32 $0x1  }
0x2: {  	[smem:$0x3F9A] =	sst lr;
	_ =	strace $0xD0000000  }
0x3: {  	_ = 	snop  }
0x4: {  	_ = 	snop  }
0x5: {  	_ = 	snop  }
0x6: {  	_ = 	snop  }
0x7: {  	_ = 	snop  }
__scs_overlays_trampoline_lowered:
0x8: {  	[smem:$0x3FA9] =	sst s0  }
0x9: {  	[smem:$0x3FAA] =	sst s1  }
0xa: {  	[smem:$0x3FAB] =	sst s2  }
0xb: {  	[smem:$0x3FAC] =	sst s3  }
0xc: {  	[smem:$0x3FAD] =	sst s4  }
0xd: {  	[smem:$0x3FAE] =	sst s5  }
0xe: {  	[smem:$0x3FAF] =	sst s6  }
0xf: {  	[smem:$0x3FB0] =	sst s7  }
0x10: {  	[smem:$0x3FB1] =	sst s8  }
0x11: {  	[smem:$0x3FB2] =	sst s9;
	s0 =	simm.s32 @!p0 $0x0  }
0x12: {  	s1 =	sld [smem:$0x3F98];
	s0 =	simm.s32 @p0 $0x1  }
0x13: {  	[smem:$0x3FB3] =	sst s0;
	s0 =	simm.s32 @!p1 $0x0  }
0x14: {  	s2 =	sld [smem:$0x3F97];
	s0 =	simm.s32 @p1 $0x1  }
0x15: {  	[smem:$0x3FB4] =	sst s0;
	s0 =	simm.s32 @!p2 $0x0  }
0x16: {  	s3 =	sld [smem:$0x3FDB];
	s0 =	simm.s32 @p2 $0x1  }
0x17: {  	s4 =	simm.s32 $0x1BF5;
	[smem:$0x3FB6] =	sst s0  }
0x18: {  	s0 =	sld [smem:$0x3F99];
	_ =	swait.ge [sflag:s4], $0x0  }
0x19: {  	s7 =	sld [smem:$0x3F9A]  }
0x1a: {  	s8 =	sadd.s32 $0xFFFFE003, lr  }
0x1b: {  	s9 =	sadd.s32 $0xFFFFFEF7, lr;
	s5 =	simm.s32 $0xFFFFFFFF;
	p2 =	slt.u32 s8, $0xFFFFF086  }
0x1c: {  	p1 =	slt.u32 s9, $0xF7A;
	s5 =	simm.s32 @!p2 $0x0  }
0x1d: {  	s5 =	simm.s32 @p1 $0x1;
	p0 =	seq.s32 s7, s2  }
0x1e: {  	s7 =	smul.u32 @!p0 $0xF7A, s2;
	p2 =	seq.s32 @!p0 s5, $0x0  }
0x1f: {  	s9 =	smul.u32 $0xF7A, s1;
	s8 =	simm.s32 @!p0 $0x1BF5;
	p2 =	por !p2, p0  }
0x20: {  	[sflag:s8] =	ssyncset.s32 @!p0 $0xFFFFF086;
	s6 =	sadd.s32 @!p0 s3, s7;
	s7 =	simm.s32 @!p0 $0x108  }
0x21: {  	s3 =	sadd.s32 s3, s9;
	s6 =	sadd.s32 @!p0 $0x88, s6;
	s7 =	simm.s32 @p2 $0x1082  }
0x22: {  	[simem:s7], [sflag:s8] =	dma.local @!p0 [hbm:s6], $0xF7A  }
0x23: {  	s9 =	sor.u32 $0xD0000000, s2;
	s6 =	simm.s32 $0x108;
	_ =	swait.ge @!p0 [sflag:s8], $0x0  }
0x24: {  	s3 =	sadd.s32 $0x88, s3;
	s6 =	simm.s32 @!p1 $0x1082;
	[sflag:s4] =	ssyncset.s32 $0xFFFFF086  }
0x25: {  	[simem:s6], [sflag:s4] =	dma.local [hbm:s3], $0xF7A  }
0x26: {  	[smem:$0x3F9A] =	sst s1;
	(tag) =	ssettag s2;
	_ =	strace s9  }
0x27: {  	s1 =	sld [smem:$0x3FAA]  }
0x28: {  	s2 =	sld [smem:$0x3FAB]  }
0x29: {  	s4 =	sld [smem:$0x3FAD]  }
0x2a: {  	p0 =	seq.s32 s5, $0x0;
	s5 =	sld [smem:$0x3FAE]  }
0x2b: {  	s6 =	sld [smem:$0x3FAF]  }
0x2c: {  	s7 =	sld [smem:$0x3FB0]  }
0x2d: {  	s3 =	simm.s32 $0x108;
	s8 =	sld [smem:$0x3FB1]  }
0x2e: {  	s3 =	simm.s32 @!p0 $0x1082;
	s9 =	sld [smem:$0x3FB2]  }
0x2f: {  	lr =	sadd.s32 s0, s3;
	s0 =	sld [smem:$0x3FA9]  }
0x30: {  	s3 =	sld [smem:$0x3FAC]  }
0x31: {  	[smem:$0x3FB5] =	sst s10  }
0x32: {  	s10 =	sld [smem:$0x3FB3];
	_ =	sdelay $0x3  }
0x33: {  	p0 =	seq.s32 s10, $0x1;
	s10 =	sld [smem:$0x3FB5];
	_ =	sdelay $0x3  }
0x34: {  	[smem:$0x3FB5] =	sst s10  }
0x35: {  	s10 =	sld [smem:$0x3FB4];
	_ =	sdelay $0x3  }
0x36: {  	p1 =	seq.s32 s10, $0x1;
	s10 =	sld [smem:$0x3FB5];
	_ =	sdelay $0x3  }
0x37: {  	[smem:$0x3FB5] =	sst s10  }
0x38: {  	s10 =	sld [smem:$0x3FB6]  }
0x39: {  	_ = 	snop;
	(pc) =	sbr.ind lr, $3  }
0x3a: {  	_ = 	snop  }
0x3b: {  	_ = 	snop  }
0x3c: {  	p2 =	seq.s32 s10, $0x1;
	s10 =	sld [smem:$0x3FB5]  }
0x3d: {  	_ =	shalt  }
0x3e: {  	_ =	shalt  }
0x3f: {  	_ =	shalt  }
0x40: {  	_ =	shalt  }
0x41: {  	_ =	shalt  }
0x42: {  	_ =	shalt  }
0x43: {  	_ =	shalt  }
0x44: {  	_ =	shalt  }
0x45: {  	_ =	shalt  }
0x46: {  	_ =	shalt  }
0x47: {  	_ =	shalt  }
0x48: {  	_ =	shalt  }
0x49: {  	_ =	shalt  }
0x4a: {  	_ =	shalt  }
0x4b: {  	_ =	shalt  }
0x4c: {  	_ =	shalt  }
0x4d: {  	_ =	shalt  }
0x4e: {  	_ =	shalt  }
0x4f: {  	_ =	shalt  }
0x50: {  	_ =	shalt  }
0x51: {  	_ =	shalt  }
0x52: {  	_ =	shalt  }
0x53: {  	_ =	shalt  }
0x54: {  	_ =	shalt  }
0x55: {  	_ =	shalt  }
0x56: {  	_ =	shalt  }
0x57: {  	_ =	shalt  }
0x58: {  	_ =	shalt  }
0x59: {  	_ =	shalt  }
0x5a: {  	_ =	shalt  }
0x5b: {  	_ =	shalt  }
0x5c: {  	_ =	shalt  }
0x5d: {  	_ =	shalt  }
0x5e: {  	_ =	shalt  }
0x5f: {  	_ =	shalt  }
0x60: {  	_ =	shalt  }
0x61: {  	_ =	shalt  }
0x62: {  	_ =	shalt  }
0x63: {  	_ =	shalt  }
0x64: {  	_ =	shalt  }
0x65: {  	_ =	shalt  }
0x66: {  	_ =	shalt  }
0x67: {  	_ =	shalt  }
0x68: {  	_ =	shalt  }
0x69: {  	_ =	shalt  }
0x6a: {  	_ =	shalt  }
0x6b: {  	_ =	shalt  }
0x6c: {  	_ =	shalt  }
0x6d: {  	_ =	shalt  }
0x6e: {  	_ =	shalt  }
0x6f: {  	_ =	shalt  }
0x70: {  	_ =	shalt  }
0x71: {  	_ =	shalt  }
0x72: {  	_ =	shalt  }
0x73: {  	_ =	shalt  }
0x74: {  	_ =	shalt  }
0x75: {  	_ =	shalt  }
0x76: {  	_ =	shalt  }
0x77: {  	_ =	shalt  }
0x78: {  	_ =	shalt  }
0x79: {  	_ =	shalt  }
0x7a: {  	_ =	shalt  }
0x7b: {  	_ =	shalt  }
0x7c: {  	_ =	shalt  }
0x7d: {  	_ =	shalt  }
0x7e: {  	_ =	shalt  }
0x7f: {  	_ =	shalt  }
0x80: {  	_ =	shalt  }
0x81: {  	_ =	shalt  }
0x82: {  	_ =	shalt  }
0x83: {  	_ =	shalt  }
0x84: {  	_ =	shalt  }
0x85: {  	_ =	shalt  }
0x86: {  	_ =	shalt  }
0x87: {  	_ =	shalt  }
.Lfunc_end0:
.L_simem_size_0:
called_computation.1_lowered:
.L_overlay_start_0:
0x88: {  	s2 =	sld [smem:$0x3FD9]  }
0x89: {  	s3 =	sld [smem:$0x3FFE];
	_ =	sdelay $0x1  }
0x8a: {  	s1 =	srdreg.scid  }
0x8b: {  	s0 =	sand.u32 $0x1, s1  }
0x8c: {  	s17 =	sshll.u32 s0, $0xA;
	s2 =	sadd.s32 s3, s2  }
0x8d: {  	s2 =	sadd.s32 s2, s17  }
0x8e: {  	[smem:$0x3FC1] =	sst s2  }
0x8f: {  	_ = 	snop  }
0x90: {  	s2 =	sld [smem:$0x3FD0];
	(tm) =	ssettm $0x1  }
0x91: {  	s18 =	sld [smem:$0x3FFB];
	_ =	sdelay $0x3  }
0x92: {  	_ =	strace s18  }
0x93: {  	s3 =	sld [smem:$0x3FFC];
	_ =	sdelay $0x3  }
0x94: {  	_ =	strace s3  }
0x95: {  	s3 =	sld [smem:$0x3FFD];
	_ =	sdelay $0x3  }
0x96: {  	_ =	strace s3  }
0x97: {  	_ =	strace $0x8FFFFFFF  }
0x98: {  	s19 =	sld [smem:$0x3FDB];
	_ =	sdelay $0x1  }
0x99: {  	s4 =	simm.s32 $_scs_section_size  }
0x9a: {  	s5 =	simm.s32 $_size__tile_overlayer_lowered;
	s6 =	simm.s32 $_tile_overlayer_lowered  }
0x9b: {  	s22 =	simm.s32 $0x1BFF;
	s21 =	sshll.u32 s6, $0x1;
	s3 =	sadd.s32 s4, s19  }
0x9c: {  	s7 =	simm.s32 $0x0;
	s20 =	sshll.u32 s5, $0x1;
	s5 =	sadd.s32 s21, s3  }
0x9d: {  	[timem:s7], [sflag:s22] =	dma.local [hbm:s5], s20  }
0x9e: {  	_ =	swait.ge [sflag:s22], s20  }
0x9f: {  	s4 =	ssub.s32 $0x0, s20;
	[sflag:s22] =	ssyncset.done $0x0  }
0xa0: {  	[sflag:s22] =	ssyncadd.s32 s4;
	_ =	sdelay $0x1  }
0xa1: {  	s23 =	simm.s32 $0x1B8B  }
0xa2: {  	_ =	swait.ge [sflag:s23], $0x1  }
0xa3: {  	[sflag:s23] =	ssyncset.done $0x0  }
0xa4: {  	s25 =	simm.s32 $0x1B8E;
	s24 =	sld [smem:$0x3FFE];
	[sflag:s23] =	ssyncadd.s32 $0xFFFFFFFF  }
0xa5: {  	s26 =	simm.s32 $execute0_lowered;
	[smem:$0x3FD2] =	sst s25  }
0xa6: {  	s5 =	sshll.u32 s26, $0x1;
	_ =	strace $0x80000049;
	[dreg:$0x1] =	wrdreg $0xFFFFFFFF  }
0xa7: {  	s28 =	simm.s32 $_size_execute0_lowered;
	s3 =	sadd.s32 s3, s5;
	[dreg:$0x0] =	wrdreg $0x0  }
0xa8: {  	s5 =	sshll.u32 s28, $0x1;
	[dreg:$0x2] =	wrdreg s3  }
0xa9: {  	[dreg:$0x3] =	wrdreg s5  }
0xaa: {  	[dreg:$0x4] =	wrdreg $0xC0  }
0xab: {  	_ =	task [dreg:s7], $0x5FFFF  }
0xac: {  	[dreg:$0x1] =	wrdreg $0xFFFFFFFF  }
0xad: {  	[dreg:$0x0] =	wrdreg $0x60  }
0xae: {  	[dreg:$0x2] =	wrdreg s24  }
0xaf: {  	[dreg:$0x3] =	wrdreg s2  }
0xb0: {  	[dreg:$0x4] =	wrdreg $0x9  }
0xb1: {  	_ =	task.clear_ibuf [dreg:s7], $0x5FFFF;
	_ =	strace $0x90000049  }
0xb2: {  	s29 =	simm.s32 $0x9;
	_ =	strace $0x8000004B  }
0xb3: {  	_ =	swait.ge [sflag:s29], $0x1  }
0xb4: {  	[sflag:s29] =	ssyncadd.s32 $0xFFFFFFFF  }
0xb5: {  	_ =	strace $0x9000004B  }
0xb6: {  	_ =	sfence  }
0xb7: {  	s30 =	sld [smem:$0x0];
	_ =	sdelay $0x2  }
0xb8: {  	s31 =	sshll.u32 s1, $0xD;
	s1 =	sshrl.u32 s1, $0x2  }
0xb9: {  	s3 =	sand.u32 $0x4000, s31;
	s1 =	sadd.s32 s1, s30  }
0xba: {  	s0 =	sor.u32 s3, s0;
	s1 =	sshll.u32 s1, $0x11  }
0xbb: {  	s0 =	sor.u32 s1, s0  }
0xbc: {  	s0 =	sadd.s32 $0x8F2B, s0  }
0xbd: {  	[sflag:s0] =	ssyncadd.remote.s32 $0x1  }
0xbe: {  	_ =	sfence.sel $0xFFFF  }
0xbf: {  	[dreg:$0x0] =	wrdreg $0xFFFFFFFF;
	(pc) =	sbr.abs _section_cstart, $3  }
0xc0: {  	[dreg:$0x1] =	wrdreg $0xFFFFFFFF  }
0xc1: {  	_ =	task.clear_ibuf [dreg:s7], $0x2FFFF;
	_ =	strace $0x9FFFFFFF  }
0xc2: {  	(tm) =	ssettm $0x7FFFFFFF  }
0xc3: {  	_ =	shalt  }
tec
execute0_lowered:
.L_overlay_start_1:
0x0: {  	(tag) =	ssettag $0x1  }
0x1: {  	s1 =	srdreg.scid  }
0x2: {  	s0 =	stileid.u32;
	s6 =	rddreg [dreg:$0x0]  }
0x3: {  	s4 =	rddreg [dreg:$0x1];
	s18 =	simm.s32 $0x880;
	s19 =	simm.s32 $0x1080  }
0x4: {  	s20 =	simm.s32 $0x1880;
	s22 =	simm.s32 $0x2080;
	s23 =	simm.s32 $0x2880  }
0x5: {  	s7 =	simm.s32 $0x3080;
	s24 =	simm.s32 $0x3880;
	s8 =	simm.s32 $0x4080  }
0x6: {  	s25 =	simm.s32 $0x4880;
	s26 =	simm.s32 $0x5080;
	s1 =	sand.u32 $0x1, s1  }
0x7: {  	s9 =	simm.s32 $0x80;
	s2 =	sshll.u32 s0, $0x7;
	s3 =	sshll.u32 s1, $0x6  }
0x8: {  	s11 =	simm.s32 $0x6080;
	s3 =	sor.u32 s3, s2;
	s2 =	simm.s32 $0x0  }
0x9: {  	s12 =	simm.s32 $0x6880;
	s13 =	simm.s32 $0x7080;
	[smem:$0x7FF] =	sst s2  }
0xa: {  	s14 =	simm.s32 $0x7880;
	_ =	strace $0x8000004A;
	[dreg:$0x5] =	wrdreg s18  }
0xb: {  	s15 =	simm.s32 $0x8080;
	s16 =	simm.s32 $0x8880;
	[dreg:$0x6] =	wrdreg s19  }
0xc: {  	s17 =	simm.s32 $0x9080;
	s28 =	simm.s32 $0xE080;
	[dreg:$0x7] =	wrdreg s20  }
0xd: {  	s29 =	simm.s32 $0xE880;
	s30 =	simm.s32 $0xF080;
	[dreg:$0x8] =	wrdreg s22  }
0xe: {  	s31 =	simm.s32 $0xF880;
	s1 =	ssub.s32 $0x2, s1;
	[dreg:$0x9] =	wrdreg s23  }
0xf: {  	s21 =	sshrl.u32 s1, $0x1;
	s5 =	sshrl.u32 s3, $0x3;
	[dreg:$0xa] =	wrdreg s7  }
0x10: {  	s3 =	sshll.u32 s3, $0x7;
	s1 =	ssub.s32 s1, s21;
	[dreg:$0xb] =	wrdreg s24  }
0x11: {  	s21 =	simm.s32 $0xB080;
	s5 =	sadd.s32 s5, s6;
	[dreg:$0xc] =	wrdreg s8  }
0x12: {  	s3 =	sadd.s32 s4, s3;
	s4 =	sadd.s32 $0xB00, s6;
	[dreg:$0xd] =	wrdreg s25  }
0x13: {  	s7 =	smax.u32 s1, $0x1;
	s8 =	simm.s32 $0x2;
	[dreg:$0xe] =	wrdreg s26  }
0x14: {  	s18 =	simm.s32 $0x9880;
	s19 =	simm.s32 $0xA080;
	s20 =	simm.s32 $0xA880  }
0x15: {  	s22 =	simm.s32 $0xB880;
	s23 =	simm.s32 $0xC080;
	s24 =	simm.s32 $0xC880  }
0x16: {  	v2 =	vlaneseq.u32;
	s25 =	simm.s32 $0xD080;
	s26 =	simm.s32 $0xD880;
	s1 =	simm.s32 $0x1  }
0x17: {  	vm0 =	vmmov $0xffff;
	v1 =	vshrl.u32 v2, $0x3;
	s5 =	sadd.s32 $0x800, s5;
	[dreg:$0x4] =	wrdreg s3;
	s3 =	sadd.s32 $0xA00, s6  }
0x18: {  	v0 =	vand.u32 $0x7, v2;
	v2 =	vor.u32 $0x8, v2;
	v1 =	vmul.u32 $0x8, v1;
	[dreg:$0x3] =	wrdreg s5;
	s5 =	sadd.s32 $0xC00, s6;
	s6 =	sadd.s32 $0xD00, s6  }
.LBB2_1:
0x19: {  	s0 =	rddreg [dreg:$0x3]  }
0x1a: {  	[tilespmem:s2], [sflag:$0x2] =	stream.linear.gather [hbm4b:s0+s2], $0x40, $0x38;
	[tilespmem:$0x10080] =	vst v63  }
0x1b: {  	_ =	swait.ge [sflag:s8], $0x40  }
0x1c: {  	[sflag:s8] =	ssyncset.done $0x0  }
0x1d: {  	[sflag:s8] =	ssyncadd.s32 $0xFFFFFFC0  }
0x1e: {  	v3 =	vld [tilespmem:$0x0];
	_ =	sdelay $0x4  }
0x1f: {  	v4 =	vshll.u32 v3, $0x3  }
0x20: {  	v3 =	vand.u32 $0x7, v3;
	v4 =	vand.u32 $0xFFFFFFC0, v4  }
0x21: {  	v3 =	vor.u32 v3, v4  }
0x22: {  	v4 =	vperm.xlane v3, v0;
	_ =	sdelay $0x1  }
0x23: {  	v4 =	vadd.s32 v1, v4;
	_ =	sdelay $0x4  }
0x24: {  	[tilespmem:s9], [sflag:$0x1] =	stream.indirect_vreg.gather [hbm4b:s3+s2], $0x80, v4, vm0, $0xb8;
	[tilespmem:$0x10080] =	vst v63  }
0x25: {  	s0 =	rddreg [dreg:$0x5];
	v3 =	vperm.xlane v3, v2  }
0x26: {  	[tilespmem:s0], [sflag:$0x1] =	stream.indirect_vreg.gather [hbm4b:s4+s2], $0x80, v4, vm0, $0xb8;
	[tilespmem:$0x10080] =	vst v63  }
0x27: {  	s10 =	rddreg [dreg:$0x6];
	v3 =	vadd.s32 v1, v3  }
0x28: {  	[tilespmem:s10], [sflag:$0x1] =	stream.indirect_vreg.gather [hbm4b:s5+s2], $0x80, v4, vm0, $0xb8;
	[tilespmem:$0x10080] =	vst v63  }
0x29: {  	s0 =	rddreg [dreg:$0x7]  }
0x2a: {  	[tilespmem:s0], [sflag:$0x1] =	stream.indirect_vreg.gather [hbm4b:s6+s2], $0x80, v4, vm0, $0xb8;
	[tilespmem:$0x10080] =	vst v63  }
0x2b: {  	s10 =	rddreg [dreg:$0x8]  }
0x2c: {  	[tilespmem:s10], [sflag:$0x1] =	stream.indirect_vreg.gather [hbm4b:s3+s2], $0x80, v3, vm0, $0xb8;
	[tilespmem:$0x10080] =	vst v63  }
0x2d: {  	s0 =	rddreg [dreg:$0x9]  }
0x2e: {  	[tilespmem:s0], [sflag:$0x1] =	stream.indirect_vreg.gather [hbm4b:s4+s2], $0x80, v3, vm0, $0xb8;
	[tilespmem:$0x10080] =	vst v63  }
0x2f: {  	s10 =	rddreg [dreg:$0xa]  }
0x30: {  	[tilespmem:s10], [sflag:$0x1] =	stream.indirect_vreg.gather [hbm4b:s5+s2], $0x80, v3, vm0, $0xb8;
	[tilespmem:$0x10080] =	vst v63  }
0x31: {  	s0 =	rddreg [dreg:$0xb]  }
0x32: {  	[tilespmem:s0], [sflag:$0x1] =	stream.indirect_vreg.gather [hbm4b:s6+s2], $0x80, v3, vm0, $0xb8;
	[tilespmem:$0x10080] =	vst v63  }
0x33: {  	v3 =	vld [tilespmem:$0x10];
	_ =	sdelay $0x4  }
0x34: {  	v61 =	vshll.u32 v3, $0x3  }
0x35: {  	v3 =	vand.u32 $0x7, v3;
	v4 =	vand.u32 $0xFFFFFFC0, v61  }
0x36: {  	v3 =	vor.u32 v3, v4  }
0x37: {  	v4 =	vperm.xlane v3, v0;
	_ =	sdelay $0x1  }
0x38: {  	v4 =	vadd.s32 v1, v4;
	_ =	sdelay $0x3  }
0x39: {  	s0 =	rddreg [dreg:$0xc]  }
0x3a: {  	[tilespmem:s0], [sflag:$0x1] =	stream.indirect_vreg.gather [hbm4b:s3+s2], $0x80, v4, vm0, $0xb8;
	[tilespmem:$0x10080] =	vst v63  }
0x3b: {  	s10 =	rddreg [dreg:$0xd];
	v3 =	vperm.xlane v3, v2  }
0x3c: {  	[tilespmem:s10], [sflag:$0x1] =	stream.indirect_vreg.gather [hbm4b:s4+s2], $0x80, v4, vm0, $0xb8;
	[tilespmem:$0x10080] =	vst v63  }
0x3d: {  	v3 =	vadd.s32 v1, v3;
	s0 =	rddreg [dreg:$0xe]  }
0x3e: {  	[tilespmem:s0], [sflag:$0x1] =	stream.indirect_vreg.gather [hbm4b:s5+s2], $0x80, v4, vm0, $0xb8;
	[tilespmem:$0x10080] =	vst v63  }
0x3f: {  	s10 =	simm.s32 $0x5880  }
0x40: {  	[tilespmem:s10], [sflag:$0x1] =	stream.indirect_vreg.gather [hbm4b:s6+s2], $0x80, v4, vm0, $0xb8;
	[tilespmem:$0x10080] =	vst v63  }
0x41: {  	_ = 	snop  }
0x42: {  	[tilespmem:s11], [sflag:$0x1] =	stream.indirect_vreg.gather [hbm4b:s3+s2], $0x80, v3, vm0, $0xb8;
	[tilespmem:$0x10080] =	vst v63  }
0x43: {  	_ = 	snop  }
0x44: {  	[tilespmem:s12], [sflag:$0x1] =	stream.indirect_vreg.gather [hbm4b:s4+s2], $0x80, v3, vm0, $0xb8;
	[tilespmem:$0x10080] =	vst v63  }
0x45: {  	_ = 	snop  }
0x46: {  	[tilespmem:s13], [sflag:$0x1] =	stream.indirect_vreg.gather [hbm4b:s5+s2], $0x80, v3, vm0, $0xb8;
	[tilespmem:$0x10080] =	vst v63  }
0x47: {  	_ = 	snop  }
0x48: {  	[tilespmem:s14], [sflag:$0x1] =	stream.indirect_vreg.gather [hbm4b:s6+s2], $0x80, v3, vm0, $0xb8;
	[tilespmem:$0x10080] =	vst v63  }
0x49: {  	v3 =	vld [tilespmem:$0x20];
	_ =	sdelay $0x4  }
0x4a: {  	v62 =	vshll.u32 v3, $0x3  }
0x4b: {  	v3 =	vand.u32 $0x7, v3;
	v4 =	vand.u32 $0xFFFFFFC0, v62  }
0x4c: {  	v3 =	vor.u32 v3, v4  }
0x4d: {  	v4 =	vperm.xlane v3, v0;
	_ =	sdelay $0x1  }
0x4e: {  	v4 =	vadd.s32 v1, v4;
	_ =	sdelay $0x4  }
0x4f: {  	[tilespmem:s15], [sflag:$0x1] =	stream.indirect_vreg.gather [hbm4b:s3+s2], $0x80, v4, vm0, $0xb8;
	[tilespmem:$0x10080] =	vst v63  }
0x50: {  	v3 =	vperm.xlane v3, v2  }
0x51: {  	[tilespmem:s16], [sflag:$0x1] =	stream.indirect_vreg.gather [hbm4b:s4+s2], $0x80, v4, vm0, $0xb8;
	[tilespmem:$0x10080] =	vst v63  }
0x52: {  	v3 =	vadd.s32 v1, v3  }
0x53: {  	[tilespmem:s17], [sflag:$0x1] =	stream.indirect_vreg.gather [hbm4b:s5+s2], $0x80, v4, vm0, $0xb8;
	[tilespmem:$0x10080] =	vst v63  }
0x54: {  	_ = 	snop  }
0x55: {  	[tilespmem:s18], [sflag:$0x1] =	stream.indirect_vreg.gather [hbm4b:s6+s2], $0x80, v4, vm0, $0xb8;
	[tilespmem:$0x10080] =	vst v63  }
0x56: {  	_ = 	snop  }
0x57: {  	[tilespmem:s19], [sflag:$0x1] =	stream.indirect_vreg.gather [hbm4b:s3+s2], $0x80, v3, vm0, $0xb8;
	[tilespmem:$0x10080] =	vst v63  }
0x58: {  	_ = 	snop  }
0x59: {  	[tilespmem:s20], [sflag:$0x1] =	stream.indirect_vreg.gather [hbm4b:s4+s2], $0x80, v3, vm0, $0xb8;
	[tilespmem:$0x10080] =	vst v63  }
0x5a: {  	_ = 	snop  }
0x5b: {  	[tilespmem:s21], [sflag:$0x1] =	stream.indirect_vreg.gather [hbm4b:s5+s2], $0x80, v3, vm0, $0xb8;
	[tilespmem:$0x10080] =	vst v63  }
0x5c: {  	_ = 	snop  }
0x5d: {  	[tilespmem:s22], [sflag:$0x1] =	stream.indirect_vreg.gather [hbm4b:s6+s2], $0x80, v3, vm0, $0xb8;
	[tilespmem:$0x10080] =	vst v63  }
0x5e: {  	v3 =	vld [tilespmem:$0x30];
	_ =	sdelay $0x4  }
0x5f: {  	v63 =	vshll.u32 v3, $0x3  }
0x60: {  	v3 =	vand.u32 $0x7, v3;
	v4 =	vand.u32 $0xFFFFFFC0, v63  }
0x61: {  	v3 =	vor.u32 v3, v4  }
0x62: {  	v4 =	vperm.xlane v3, v0;
	_ =	sdelay $0x1  }
0x63: {  	v4 =	vadd.s32 v1, v4;
	_ =	sdelay $0x4  }
0x64: {  	[tilespmem:s23], [sflag:$0x1] =	stream.indirect_vreg.gather [hbm4b:s3+s2], $0x80, v4, vm0, $0xb8;
	[tilespmem:$0x10080] =	vst v63  }
0x65: {  	v3 =	vperm.xlane v3, v2  }
0x66: {  	[tilespmem:s24], [sflag:$0x1] =	stream.indirect_vreg.gather [hbm4b:s4+s2], $0x80, v4, vm0, $0xb8;
	[tilespmem:$0x10080] =	vst v63  }
0x67: {  	v3 =	vadd.s32 v1, v3  }
0x68: {  	[tilespmem:s25], [sflag:$0x1] =	stream.indirect_vreg.gather [hbm4b:s5+s2], $0x80, v4, vm0, $0xb8;
	[tilespmem:$0x10080] =	vst v63  }
0x69: {  	_ = 	snop  }
0x6a: {  	[tilespmem:s26], [sflag:$0x1] =	stream.indirect_vreg.gather [hbm4b:s6+s2], $0x80, v4, vm0, $0xb8;
	[tilespmem:$0x10080] =	vst v63  }
0x6b: {  	_ = 	snop  }
0x6c: {  	[tilespmem:s28], [sflag:$0x1] =	stream.indirect_vreg.gather [hbm4b:s3+s2], $0x80, v3, vm0, $0xb8;
	[tilespmem:$0x10080] =	vst v63  }
0x6d: {  	_ = 	snop  }
0x6e: {  	[tilespmem:s29], [sflag:$0x1] =	stream.indirect_vreg.gather [hbm4b:s4+s2], $0x80, v3, vm0, $0xb8;
	[tilespmem:$0x10080] =	vst v63  }
0x6f: {  	_ = 	snop  }
0x70: {  	[tilespmem:s30], [sflag:$0x1] =	stream.indirect_vreg.gather [hbm4b:s5+s2], $0x80, v3, vm0, $0xb8;
	[tilespmem:$0x10080] =	vst v63  }
0x71: {  	_ = 	snop  }
0x72: {  	[tilespmem:s31], [sflag:$0x1] =	stream.indirect_vreg.gather [hbm4b:s6+s2], $0x80, v3, vm0, $0xb8;
	[tilespmem:$0x10080] =	vst v63  }
0x73: {  	_ =	swait.ge [sflag:s1], $0x10000  }
0x74: {  	p0 =	sne.s32 s7, $0x1;
	[sflag:s1] =	ssyncset.done $0x0  }
.Ltmp0:
0x75: {  	s10 =	rddreg [dreg:$0x4];
	[sflag:s1] =	ssyncadd.s32 $0xFFFF0000;
	(pc) =	sbr.rel @p0 .LBB2_1-.Ltmp0, $4  }
0x76: {  	[hbm4b:s10+s2] =	stream.linear.scatter [tilespmem:s9], [sflag:$0x2], $0x10000, $0x38;
	[tilespmem:$0x10080] =	vst v63  }
0x77: {  	_ =	swait.ge [sflag:s8], $0x10000  }
0x78: {  	[sflag:s8] =	ssyncset.done $0x0  }
0x79: {  	s7 =	sadd.s32 $0xFFFFFFFF, s7;
	[sflag:s8] =	ssyncadd.s32 $0xFFFF0000  }
0x7a: {  	_ =	sfence.sel $0x180000  }
0x7b: {  	[bflag:$0x0] =	sbarrier.arrive $0xFFFF  }
0x7c: {  	_ =	strace $0x9000004A  }
0x7d: {  	s0 =	stileid.u32;
	[bflag:$0x2] =	sbarrier.arrive $0xFFFF  }
0x7e: {  	p0 =	sne.s32 s0, $0x0;
	s0 =	rddreg [dreg:$0x2]  }
0x7f: {  	s0 =	sadd.s32 @!p0 $0x100000, s0  }
0x80: {  	[sflag:s0] =	ssyncadd.tile.s32 @!p0 $0x1;
	_ =	shalt  }
.Lfunc_end2:
_tile_overlayer_lowered:
.L_overlay_start_2:
0x81: {  	(tag) =	ssettag $0x2  }
0x82: {  	s0 =	rddreg [dreg:$0x0];
	s2 =	stileid.u32  }
0x83: {  	s1 =	rddreg [dreg:$0x1];
	p0 =	sne.s32 s2, $0x0  }
0x84: {  	s3 =	rddreg [dreg:$0x2];
	[bflag:$0x3] =	sbarrier.arrive $0xFFFF;
	s2 =	simm.s32 @!p0 $0x1C02  }
0x85: {  	[timem:s3], [sflag:s2] =	dma.local @!p0 [hbm:s0], s1  }
0x86: {  	s0 =	simm.s32 @!p0 $0x2  }
0x87: {  	_ =	swait.ge @!p0 [sflag:s0], s1  }
0x88: {  	s1 =	ssub.s32 @!p0 $0x0, s1;
	[sflag:s0] =	ssyncset.done @!p0 $0x0  }
0x89: {  	[sflag:s0] =	ssyncadd.s32 @!p0 s1  }
0x8a: {  	[bflag:$0x3] =	sbarrier.arrive $0xFFFF  }
0x8b: {  	_ =	shalt  }

</sc_bundles>
